<compile_context>
chip_gen: v7x
topology: tpu7x:2x2x1
jax: 0.10.2.dev20260603
libtpu: 0.0.44.dev20260713+nightly
codegen_flags: <defaults>
</compile_context>

<pallas_src>
import dataclasses
import functools

import jax
import jax.numpy as jnp
from jax import lax
from jax.experimental import pallas as pl
from jax.experimental.pallas import tpu as pltpu
from jax.experimental.pallas import tpu_sc as plsc

N_NODES = 10000
N_EDGES = 320000
F_IN = 128
F_OUT = 16

NC = 2
NS = 16
L = 16

NB0 = 84
NB1 = 72
NREM = 4
E0 = NS * NB0 * 128
E1 = NS * NB1 * 128
KW = 1024
NM0 = 10
NM1 = 9
IDXN = NB0 * 128 + 128

NPAD = 10240
HROWS = NPAD // L
HSLICE = HROWS // NS
ASLICE = N_NODES // NS
NIOTA = HROWS // 128
TEDGE = N_EDGES // NS
RROWS = NPAD * L // 128
RSLICE = RROWS // (NC * NS)
HTILE = HROWS // (NC * NS)
OROWS = N_NODES * F_OUT // 128

_mesh = plsc.VectorSubcoreMesh(core_axis_name="c", subcore_axis_name="s")

_sc_params = pltpu.CompilerParams()
for _field, _val in (("needs_layout_passes", False), ("use_tc_tiling_on_sc", False)):
    if _field in pltpu.CompilerParams.__dataclass_fields__:
        _sc_params = dataclasses.replace(_sc_params, **{_field: _val})


def _newton_rsqrt(d):
    i = plsc.bitcast(d, jnp.int32)
    i = jnp.full((L,), 0x5F3759DF, jnp.int32) - lax.shift_right_logical(i, 1)
    y = plsc.bitcast(i, jnp.float32)
    half_d = d * 0.5
    for _ in range(3):
        y = y * (1.5 - half_d * y * y)
    return y


@functools.partial(
    pl.kernel,
    mesh=_mesh,
    out_type=jax.ShapeDtypeStruct((RROWS, 128), jnp.float32),
    scratch_types=[
        pltpu.VMEM((TEDGE,), jnp.int32),
        pltpu.VMEM((HROWS, L), jnp.float32),
        pltpu.VMEM((NIOTA, 128), jnp.int32),
        pltpu.VMEM((HTILE, L), jnp.float32),
        pltpu.VMEM((L,), jnp.float32),
        pltpu.VMEM((2 * HTILE, 128), jnp.float32),
        pltpu.VMEM_SHARED((HROWS, L), jnp.float32),
    ],
    compiler_params=_sc_params,
)
def _hist_kernel(e_hbm, iota_hbm, out_hbm, dst_v, hist_v, iota_v, deg_v, dis_v,
                 rep_v, hist_sh):
    c = lax.axis_index("c")
    s = lax.axis_index("s")
    wid = c * NS + s
    pltpu.sync_copy(e_hbm.at[1, pl.ds(s * TEDGE, TEDGE)], dst_v)
    pltpu.sync_copy(iota_hbm, iota_v)

    zeros = jnp.zeros((L,), jnp.float32)

    @pl.loop(0, HROWS)
    def _(r):
        hist_v[r, :] = zeros

    pltpu.sync_copy(
        hist_v.at[pl.ds(s * HSLICE, HSLICE)],
        hist_sh.at[pl.ds(s * HSLICE, HSLICE)],
    )
    plsc.subcore_barrier()

    ones = jnp.ones((L,), jnp.float32)

    @pl.loop(0, TEDGE // L)
    def _(j):
        idx = dst_v[pl.ds(j * L, L)]
        row = lax.shift_right_logical(idx, 4)
        col = lax.bitwise_and(idx, 15)
        plsc.addupdate_scatter(hist_v, [row, col], ones)

    @pl.loop(0, NIOTA)
    def _(r):
        pltpu.sync_copy(
            hist_v.at[pl.ds(r * 128, 128)],
            hist_sh.at[iota_v.at[r]],
            add=True,
        )

    plsc.subcore_barrier()
    pltpu.sync_copy(hist_sh.at[pl.ds(wid * HTILE, HTILE)], deg_v)

    kvec = lax.iota(jnp.int32, L)
    rowoff = lax.shift_right_logical(kvec, 3)
    colbase = lax.shift_left(lax.bitwise_and(kvec, 7), 4)

    @pl.loop(0, HTILE)
    def _(r):
        dis = _newton_rsqrt(deg_v[r, :] + 1.0)
        dis_v[...] = dis
        rowv = rowoff + 2 * r
        for m in range(L):
            plsc.store_scatter(rep_v, [rowv, colbase + m], dis)

    pltpu.sync_copy(rep_v, out_hbm.at[pl.ds(wid * RSLICE, RSLICE)])


@functools.partial(
    pl.kernel,
    mesh=_mesh,
    out_type=jax.ShapeDtypeStruct((NC, N_NODES, F_OUT), jnp.float32),
    scratch_types=[
        pltpu.VMEM((IDXN,), jnp.int32),
        pltpu.VMEM((IDXN,), jnp.int32),
        pltpu.VMEM((KW, F_OUT), jnp.float32),
        pltpu.VMEM((KW, F_OUT), jnp.float32),
        pltpu.SemaphoreType.DMA,
        pltpu.SemaphoreType.DMA,
        pltpu.SemaphoreType.DMA,
        pltpu.SemaphoreType.DMA,
        pltpu.VMEM_SHARED((N_NODES, F_OUT), jnp.float32),
    ],
    compiler_params=_sc_params,
)
def _gather_scatter_kernel(h2_hbm, e_hbm, zeros_hbm, out_hbm, src_v, dst_v,
                           msg_a, msg_b, gsem_a, gsem_b, ssem_a, ssem_b, acc_sh):
    c = lax.axis_index("c")
    s = lax.axis_index("s")
    pltpu.sync_copy(
        zeros_hbm.at[pl.ds(s * ASLICE, ASLICE)],
        acc_sh.at[pl.ds(s * ASLICE, ASLICE)],
    )

    for row, idx_v in ((0, src_v), (1, dst_v)):
        @pl.when(c == 0)
        def _():
            pltpu.sync_copy(
                e_hbm.at[row, pl.ds(s * (NB0 * 128), NB0 * 128)],
                idx_v.at[pl.ds(0, NB0 * 128)],
            )

        @pl.when(c == 1)
        def _():
            pltpu.sync_copy(
                e_hbm.at[row, pl.ds(E0 + s * (NB1 * 128), NB1 * 128)],
                idx_v.at[pl.ds(0, NB1 * 128)],
            )

        @pl.when((c == 0) & (s < NREM))
        def _():
            pltpu.sync_copy(
                e_hbm.at[row, pl.ds(E0 + E1 + s * 128, 128)],
                idx_v.at[pl.ds(NB0 * 128, 128)],
            )

    plsc.subcore_barrier()

    msg = (msg_a, msg_b)
    gsem = (gsem_a, gsem_b)
    ssem = (ssem_a, ssem_b)

    def _gather(j):
        b = j % 2
        return pltpu.async_copy(
            h2_hbm.at[src_v.at[pl.ds(j * KW, KW)]], msg[b], gsem[b]
        )

    def _pipeline(n):
        gd = {0: _gather(0)}
        sd = {}
        for j in range(n):
            if j + 1 < n:
                if j - 1 >= 0:
                    sd[j - 1].wait()
                gd[j + 1] = _gather(j + 1)
            gd[j].wait()
            sd[j] = pltpu.async_copy(
                msg[j % 2], acc_sh.at[dst_v.at[pl.ds(j * KW, KW)]], ssem[j % 2],
                add=True,
            )
        if n >= 2:
            sd[n - 2].wait()
        sd[n - 1].wait()

    def _move(off, n):
        pltpu.sync_copy(h2_hbm.at[src_v.at[pl.ds(off, n)]], msg_a.at[pl.ds(0, n)])
        pltpu.sync_copy(
            msg_a.at[pl.ds(0, n)], acc_sh.at[dst_v.at[pl.ds(off, n)]], add=True
        )

    @pl.when(c == 0)
    def _():
        _pipeline(NM0)
        _move(NM0 * KW, 512)

    @pl.when(c == 1)
    def _():
        _pipeline(NM1)

    @pl.when((c == 0) & (s < NREM))
    def _():
        _move(NB0 * 128, 128)

    plsc.subcore_barrier()
    pltpu.sync_copy(
        acc_sh.at[pl.ds(s * ASLICE, ASLICE)],
        out_hbm.at[c, pl.ds(s * ASLICE, ASLICE)],
    )


def _matmul_body(x8_ref, w_ref, o_ref):
    w = w_ref[...]
    for k in range(8):
        o_ref[:, pl.ds(k * F_OUT, F_OUT)] = jnp.dot(
            x8_ref[:, k, :], w, preferred_element_type=jnp.float32
        )


def _scale_body(h_ref, rep_ref, h2_ref):
    h2_ref[...] = h_ref[...] * rep_ref[pl.ds(0, OROWS), :]


def _final_body(acc_ref, h2_ref, rep_ref, b_ref, o_ref):
    acc = acc_ref[0] + acc_ref[1]
    o_ref[...] = (acc + h2_ref[...]) * rep_ref[pl.ds(0, OROWS), :] + b_ref[...]


def kernel(x, edge_index, W, b):
    iota = jnp.arange(HROWS, dtype=jnp.int32).reshape(NIOTA, 128)
    zeros = jnp.zeros((N_NODES, F_OUT), jnp.float32)
    b128 = jnp.tile(b, 8).reshape(1, 128)
    x8 = x.reshape(OROWS, 8, F_IN)

    dis_rep = _hist_kernel(edge_index, iota)
    h128 = pl.pallas_call(
        _matmul_body,
        out_shape=jax.ShapeDtypeStruct((OROWS, 128), jnp.float32),
    )(x8, W)

    h2_128 = pl.pallas_call(
        _scale_body,
        out_shape=jax.ShapeDtypeStruct((OROWS, 128), jnp.float32),
    )(h128, dis_rep)
    h2 = h2_128.reshape(N_NODES, F_OUT)

    acc = _gather_scatter_kernel(h2, edge_index, zeros)
    acc128 = acc.reshape(NC, OROWS, 128)

    out128 = pl.pallas_call(
        _final_body,
        out_shape=jax.ShapeDtypeStruct((OROWS, 128), jnp.float32),
    )(acc128, h2_128, dis_rep, b128)

    return out128.reshape(N_NODES, F_OUT)

# --- scband reference (transcript-rebuilt; emitter-appended) ---
"""Pipeline reference for scband-simple-conv-gcn-53171695124875 (READ-ONLY COPY).

The authoritative reference and input builder live on the scoring server;
editing this copy changes nothing except your own understanding.
"""

import jax, jax.numpy as jnp
import numpy as np

N_NODES = 10000
N_EDGES = 320000
F_IN = 128
F_OUT = 16


def setup_inputs(seed: int = 0) -> dict:
    key = jax.random.key(seed)
    k1, k2, k3 = jax.random.split(key, 3)
    x = jax.random.normal(k1, (N_NODES, F_IN), dtype=jnp.float32)
    edge_index = jax.random.randint(k2, (2, N_EDGES), 0, N_NODES, dtype=jnp.int32)
    # GCNConv learned params: Linear(F_IN, F_OUT, bias=False) weight + separate bias
    W = jax.random.normal(k3, (F_IN, F_OUT), dtype=jnp.float32) * 0.05
    b = jnp.zeros((F_OUT,), dtype=jnp.float32)
    return {"x": x, "edge_index": edge_index, "W": W, "b": b}


def reference(x, edge_index, W, b):
    # GCNConv(num_features, 16, cached=False, normalize=True) forward:
    # 1) add self-loops, 2) symmetric gcn_norm, 3) h = x @ W, 4) scatter-add messages, 5) + bias
    n = x.shape[0]
    src = edge_index[0]
    dst = edge_index[1]
    loop = jnp.arange(n, dtype=src.dtype)
    src = jnp.concatenate([src, loop])
    dst = jnp.concatenate([dst, loop])
    h = x @ W
    ones = jnp.ones(src.shape[0], dtype=x.dtype)
    deg = jnp.zeros((n,), dtype=x.dtype).at[dst].add(ones)
    deg_inv_sqrt = jnp.where(deg > 0, 1.0 / jnp.sqrt(deg), 0.0)
    norm = deg_inv_sqrt[src] * deg_inv_sqrt[dst]
    msg = h[src] * norm[:, None]
    out = jnp.zeros((n, h.shape[1]), dtype=x.dtype).at[dst].add(msg)
    return out + b

if __name__ == "__main__":
    import jax
    _d = setup_inputs()
    print(jax.jit(kernel)(*tuple(_d.values())))

</pallas_src>

<mosaic_0001>
#map = affine_map<(d0, d1) -> (0, 0)>
module attributes {stable_mosaic.version = 14 : i64} {
  func.func @_hist_kernel(%arg0: i32, %arg1: i32, %arg2: memref<2x320000xi32, #tpu.memory_space<hbm>>, %arg3: memref<5x128xi32, #tpu.memory_space<hbm>>, %arg4: memref<1280x128xf32, #tpu.memory_space<hbm>>, %arg5: memref<20000xi32, #tpu.memory_space<vmem>>, %arg6: memref<640x16xf32, #tpu.memory_space<vmem>>, %arg7: memref<5x128xi32, #tpu.memory_space<vmem>>, %arg8: memref<20x16xf32, #tpu.memory_space<vmem>>, %arg9: memref<16xf32, #tpu.memory_space<vmem>>, %arg10: memref<40x128xf32, #tpu.memory_space<vmem>>, %arg11: memref<640x16xf32, #tpu.memory_space<vmem_shared>>) attributes {dimension_semantics = [#tpu.dimension_semantics<core_parallel>, #tpu.dimension_semantics<subcore_parallel>], iteration_bounds = array<i64: 2, 16>, scalar_prefetch = 0 : i64, scratch_operands = 7 : i64, tpu.core_type = #tpu.core_type<sc_vector_subcore>, window_params = [{transform_indices = #map}, {transform_indices = #map}, {transform_indices = #map}]} {
    %mul3A = arith.constant 16 : i32
    %mul3A_0 = arith.muli %arg0, %mul3A : i32
    %add3A = arith.addi %mul3A_0, %arg1 : i32
    %mul3A_1 = arith.constant 20000 : i32
    %mul3A_2 = arith.muli %arg1, %mul3A_1 : i32
    %run_scoped3A = arith.constant 1 : i32
    "tpu.region"() ({
      %run_scoped3A_40 = tpu.sem_alloc : memref<!tpu.dma_semaphore, #tpu.memory_space<semaphore_mem>>
      %dma_start3A = tpu.memref_slice %arg2[%run_scoped3A, %mul3A_2] : memref<2x320000xi32, #tpu.memory_space<hbm>> -> memref<1x20000xi32, #tpu.memory_space<hbm>>
      %dma_start3A_41 = tpu.memref_squeeze %dma_start3A : memref<1x20000xi32, #tpu.memory_space<hbm>> -> memref<20000xi32, #tpu.memory_space<hbm>>
      %dma_start3A_42 = tpu.memref_slice %arg2[%run_scoped3A, %mul3A_2] : memref<2x320000xi32, #tpu.memory_space<hbm>> -> memref<1x20000xi32, #tpu.memory_space<hbm>>
      %dma_start3A_43 = tpu.memref_squeeze %dma_start3A_42 : memref<1x20000xi32, #tpu.memory_space<hbm>> -> memref<20000xi32, #tpu.memory_space<hbm>>
      tpu.enqueue_dma source(%dma_start3A_43 : memref<20000xi32, #tpu.memory_space<hbm>>) target(%arg5 : memref<20000xi32, #tpu.memory_space<vmem>>) target_semaphore(%run_scoped3A_40 : memref<!tpu.dma_semaphore, #tpu.memory_space<semaphore_mem>>)
      %dma_wait3A = tpu.memref_slice %arg2[%run_scoped3A, %mul3A_2] : memref<2x320000xi32, #tpu.memory_space<hbm>> -> memref<1x20000xi32, #tpu.memory_space<hbm>>
      %dma_wait3A_44 = tpu.memref_squeeze %dma_wait3A : memref<1x20000xi32, #tpu.memory_space<hbm>> -> memref<20000xi32, #tpu.memory_space<hbm>>
      %dma_wait3A_45 = tpu.memref_slice %arg2[%run_scoped3A, %mul3A_2] : memref<2x320000xi32, #tpu.memory_space<hbm>> -> memref<1x20000xi32, #tpu.memory_space<hbm>>
      %dma_wait3A_46 = tpu.memref_squeeze %dma_wait3A_45 : memref<1x20000xi32, #tpu.memory_space<hbm>> -> memref<20000xi32, #tpu.memory_space<hbm>>
      tpu.wait_dma2 semaphore(%run_scoped3A_40 : memref<!tpu.dma_semaphore, #tpu.memory_space<semaphore_mem>>) src(%dma_wait3A_46 : memref<20000xi32, #tpu.memory_space<hbm>>) dst(%arg5 : memref<20000xi32, #tpu.memory_space<vmem>>)
      tpu.yield
    }) : () -> ()
    "tpu.region"() ({
      %run_scoped3A_40 = tpu.sem_alloc : memref<!tpu.dma_semaphore, #tpu.memory_space<semaphore_mem>>
      tpu.enqueue_dma source(%arg3 : memref<5x128xi32, #tpu.memory_space<hbm>>) target(%arg7 : memref<5x128xi32, #tpu.memory_space<vmem>>) target_semaphore(%run_scoped3A_40 : memref<!tpu.dma_semaphore, #tpu.memory_space<semaphore_mem>>)
      tpu.wait_dma2 semaphore(%run_scoped3A_40 : memref<!tpu.dma_semaphore, #tpu.memory_space<semaphore_mem>>) src(%arg3 : memref<5x128xi32, #tpu.memory_space<hbm>>) dst(%arg7 : memref<5x128xi32, #tpu.memory_space<vmem>>)
      tpu.yield
    }) : () -> ()
    %broadcast_in_dim3A = arith.constant 0.000000e+00 : f32
    %broadcast_in_dim3A_3 = vector.broadcast %broadcast_in_dim3A : f32 to vector<16xf32>
    %scan3A = arith.constant 0 : i32
    %scan3A_4 = arith.constant 640 : i32
    %scan3A_5 = arith.addi %scan3A, %scan3A_4 : i32
    %scan3A_6 = arith.constant 1 : i32
    scf.for %scan3A_40 = %scan3A to %scan3A_5 step %scan3A_6  : i32 {
      %mul3A_41 = arith.constant 1 : i32
      %mul3A_42 = arith.muli %scan3A_40, %mul3A_41 : i32
      %add3A_43 = arith.constant 0 : i32
      %add3A_44 = arith.addi %add3A_43, %mul3A_42 : i32
      %swap3A = arith.index_cast %add3A_44 : i32 to index
      %swap3A_45 = arith.constant 0 : index
      %swap3A_46 = tpu.vector_load %arg6[%swap3A, %swap3A_45] {strides = array<i32>} : memref<640x16xf32, #tpu.memory_space<vmem>>, vector<16xf32>,
      tpu.vector_store %arg6[%swap3A, %swap3A_45], %broadcast_in_dim3A_3 {strides = array<i32>} : memref<640x16xf32, #tpu.memory_space<vmem>>, vector<16xf32>,
    }
    %scan3A_7 = arith.constant 640 : i32
    %mul3A_8 = arith.constant 40 : i32
    %mul3A_9 = arith.muli %arg1, %mul3A_8 : i32
    %mul3A_10 = arith.constant 40 : i32
    %mul3A_11 = arith.muli %arg1, %mul3A_10 : i32
    "tpu.region"() ({
      %run_scoped3A_40 = tpu.sem_alloc : memref<!tpu.dma_semaphore, #tpu.memory_space<semaphore_mem>>
      %dma_start3A = arith.constant 0 : i32
      %dma_start3A_41 = tpu.memref_slice %arg6[%mul3A_9, %dma_start3A] : memref<640x16xf32, #tpu.memory_space<vmem>> -> memref<40x16xf32, #tpu.memory_space<vmem>>
      %dma_start3A_42 = arith.constant 0 : i32
      %dma_start3A_43 = tpu.memref_slice %arg11[%mul3A_11, %dma_start3A_42] : memref<640x16xf32, #tpu.memory_space<vmem_shared>> -> memref<40x16xf32, #tpu.memory_space<vmem_shared>>
      %dma_start3A_44 = arith.constant 0 : i32
      %dma_start3A_45 = tpu.memref_slice %arg11[%mul3A_11, %dma_start3A_44] : memref<640x16xf32, #tpu.memory_space<vmem_shared>> -> memref<40x16xf32, #tpu.memory_space<vmem_shared>>
      %dma_start3A_46 = arith.constant 0 : i32
      %dma_start3A_47 = tpu.memref_slice %arg6[%mul3A_9, %dma_start3A_46] : memref<640x16xf32, #tpu.memory_space<vmem>> -> memref<40x16xf32, #tpu.memory_space<vmem>>
      tpu.enqueue_dma source(%dma_start3A_47 : memref<40x16xf32, #tpu.memory_space<vmem>>) target(%dma_start3A_45 : memref<40x16xf32, #tpu.memory_space<vmem_shared>>) target_semaphore(%run_scoped3A_40 : memref<!tpu.dma_semaphore, #tpu.memory_space<semaphore_mem>>)
      %dma_wait3A = arith.constant 0 : i32
      %dma_wait3A_48 = tpu.memref_slice %arg6[%mul3A_9, %dma_wait3A] : memref<640x16xf32, #tpu.memory_space<vmem>> -> memref<40x16xf32, #tpu.memory_space<vmem>>
      %dma_wait3A_49 = arith.constant 0 : i32
      %dma_wait3A_50 = tpu.memref_slice %arg11[%mul3A_11, %dma_wait3A_49] : memref<640x16xf32, #tpu.memory_space<vmem_shared>> -> memref<40x16xf32, #tpu.memory_space<vmem_shared>>
      %dma_wait3A_51 = arith.constant 0 : i32
      %dma_wait3A_52 = tpu.memref_slice %arg11[%mul3A_11, %dma_wait3A_51] : memref<640x16xf32, #tpu.memory_space<vmem_shared>> -> memref<40x16xf32, #tpu.memory_space<vmem_shared>>
      %dma_wait3A_53 = arith.constant 0 : i32
      %dma_wait3A_54 = tpu.memref_slice %arg6[%mul3A_9, %dma_wait3A_53] : memref<640x16xf32, #tpu.memory_space<vmem>> -> memref<40x16xf32, #tpu.memory_space<vmem>>
      tpu.wait_dma2 semaphore(%run_scoped3A_40 : memref<!tpu.dma_semaphore, #tpu.memory_space<semaphore_mem>>) src(%dma_wait3A_54 : memref<40x16xf32, #tpu.memory_space<vmem>>) dst(%dma_wait3A_52 : memref<40x16xf32, #tpu.memory_space<vmem_shared>>)
      tpu.yield
    }) : () -> ()
    %barrier3A = arith.constant 0 : index
    tpu.barrier barrier_id(%barrier3A)
    %broadcast_in_dim3A_12 = arith.constant 1.000000e+00 : f32
    %broadcast_in_dim3A_13 = vector.broadcast %broadcast_in_dim3A_12 : f32 to vector<16xf32>
    %scan3A_14 = arith.constant 0 : i32
    %scan3A_15 = arith.constant 1250 : i32
    %scan3A_16 = arith.addi %scan3A_14, %scan3A_15 : i32
    %scan3A_17 = arith.constant 1 : i32
    scf.for %scan3A_40 = %scan3A_14 to %scan3A_16 step %scan3A_17  : i32 {
      %mul3A_41 = arith.constant 1 : i32
      %mul3A_42 = arith.muli %scan3A_40, %mul3A_41 : i32
      %add3A_43 = arith.constant 0 : i32
      %add3A_44 = arith.addi %add3A_43, %mul3A_42 : i32
      %mul3A_45 = arith.constant 16 : i32
      %mul3A_46 = arith.muli %add3A_44, %mul3A_45 : i32
      %get3A = arith.index_cast %mul3A_46 : i32 to index
      %get3A_47 = tpu.vector_load %arg5[%get3A] {strides = array<i32>} : memref<20000xi32, #tpu.memory_space<vmem>>, vector<16xi32>,
      %shift_right_logical3A_48 = arith.constant 4 : i32
      %shift_right_logical3A_49 = vector.broadcast %shift_right_logical3A_48 : i32 to vector<16xi32>
      %shift_right_logical3A_50 = arith.shrui %get3A_47, %shift_right_logical3A_49 : vector<16xi32>
      %and3A_51 = arith.constant 15 : i32
      %and3A_52 = vector.broadcast %and3A_51 : i32 to vector<16xi32>
      %and3A_53 = arith.andi %get3A_47, %and3A_52 : vector<16xi32>
      tpu.vector_store_idx %arg6[%shift_right_logical3A_50, %and3A_53], %broadcast_in_dim3A_13 {add = true} : memref<640x16xf32, #tpu.memory_space<vmem>>[vector<16xi32>, vector<16xi32>], vector<16xf32>,
    }
    %scan3A_18 = arith.constant 1250 : i32
    %scan3A_19 = arith.constant 0 : i32
    %scan3A_20 = arith.constant 5 : i32
    %scan3A_21 = arith.addi %scan3A_19, %scan3A_20 : i32
    %scan3A_22 = arith.constant 1 : i32
    scf.for %scan3A_40 = %scan3A_19 to %scan3A_21 step %scan3A_22  : i32 {
      %mul3A_41 = arith.constant 1 : i32
      %mul3A_42 = arith.muli %scan3A_40, %mul3A_41 : i32
      %add3A_43 = arith.constant 0 : i32
      %add3A_44 = arith.addi %add3A_43, %mul3A_42 : i32
      %mul3A_45 = arith.constant 128 : i32
      %mul3A_46 = arith.muli %add3A_44, %mul3A_45 : i32
      "tpu.region"() ({
        %run_scoped3A_47 = tpu.sem_alloc : memref<!tpu.dma_semaphore, #tpu.memory_space<semaphore_mem>>
        %dma_start3A = arith.constant 0 : i32
        %dma_start3A_48 = tpu.memref_slice %arg6[%mul3A_46, %dma_start3A] : memref<640x16xf32, #tpu.memory_space<vmem>> -> memref<128x16xf32, #tpu.memory_space<vmem>>
        %dma_start3A_49 = arith.constant 0 : i32
        %dma_start3A_50 = tpu.memref_slice %arg7[%add3A_44, %dma_start3A_49] : memref<5x128xi32, #tpu.memory_space<vmem>> -> memref<1x128xi32, #tpu.memory_space<vmem>>
        %dma_start3A_51 = tpu.memref_squeeze %dma_start3A_50 : memref<1x128xi32, #tpu.memory_space<vmem>> -> memref<128xi32, #tpu.memory_space<vmem>>
        %dma_start3A_52 = arith.constant 0 : i32
        %dma_start3A_53 = arith.constant 0 : i32
        %dma_start3A_54 = tpu.memref_slice %arg11[%dma_start3A_52, %dma_start3A_53] : memref<640x16xf32, #tpu.memory_space<vmem_shared>> -> memref<640x16xf32, #tpu.memory_space<vmem_shared>>
        tpu.enqueue_indirect_dma source(%dma_start3A_48 : memref<128x16xf32, #tpu.memory_space<vmem>>) target(%dma_start3A_54 : memref<640x16xf32, #tpu.memory_space<vmem_shared>>) offsets(%dma_start3A_51 : memref<128xi32, #tpu.memory_space<vmem>>) semaphore(%run_scoped3A_47 : memref<!tpu.dma_semaphore, #tpu.memory_space<semaphore_mem>>) {add = true}
        %dma_wait3A = arith.constant 0 : i32
        %dma_wait3A_55 = tpu.memref_slice %arg6[%mul3A_46, %dma_wait3A] : memref<640x16xf32, #tpu.memory_space<vmem>> -> memref<128x16xf32, #tpu.memory_space<vmem>>
        %dma_wait3A_56 = arith.constant 0 : i32
        %dma_wait3A_57 = tpu.memref_slice %arg7[%add3A_44, %dma_wait3A_56] : memref<5x128xi32, #tpu.memory_space<vmem>> -> memref<1x128xi32, #tpu.memory_space<vmem>>
        %dma_wait3A_58 = tpu.memref_squeeze %dma_wait3A_57 : memref<1x128xi32, #tpu.memory_space<vmem>> -> memref<128xi32, #tpu.memory_space<vmem>>
        %dma_wait3A_59 = arith.constant 0 : i32
        %dma_wait3A_60 = arith.constant 0 : i32
        %dma_wait3A_61 = tpu.memref_slice %arg11[%dma_wait3A_59, %dma_wait3A_60] : memref<640x16xf32, #tpu.memory_space<vmem_shared>> -> memref<640x16xf32, #tpu.memory_space<vmem_shared>>
        tpu.wait_indirect_dma semaphore(%run_scoped3A_47 : memref<!tpu.dma_semaphore, #tpu.memory_space<semaphore_mem>>) src(%dma_wait3A_55 : memref<128x16xf32, #tpu.memory_space<vmem>>) dst(%dma_wait3A_61 : memref<640x16xf32, #tpu.memory_space<vmem_shared>>)
        tpu.yield
      }) : () -> ()
    }
    %scan3A_23 = arith.constant 5 : i32
    %barrier3A_24 = arith.constant 0 : index
    tpu.barrier barrier_id(%barrier3A_24)
    %mul3A_25 = arith.constant 20 : i32
    %mul3A_26 = arith.muli %add3A, %mul3A_25 : i32
    "tpu.region"() ({
      %run_scoped3A_40 = tpu.sem_alloc : memref<!tpu.dma_semaphore, #tpu.memory_space<semaphore_mem>>
      %dma_start3A = arith.constant 0 : i32
      %dma_start3A_41 = tpu.memref_slice %arg11[%mul3A_26, %dma_start3A] : memref<640x16xf32, #tpu.memory_space<vmem_shared>> -> memref<20x16xf32, #tpu.memory_space<vmem_shared>>
      %dma_start3A_42 = arith.constant 0 : i32
      %dma_start3A_43 = tpu.memref_slice %arg11[%mul3A_26, %dma_start3A_42] : memref<640x16xf32, #tpu.memory_space<vmem_shared>> -> memref<20x16xf32, #tpu.memory_space<vmem_shared>>
      tpu.enqueue_dma source(%dma_start3A_43 : memref<20x16xf32, #tpu.memory_space<vmem_shared>>) target(%arg8 : memref<20x16xf32, #tpu.memory_space<vmem>>) target_semaphore(%run_scoped3A_40 : memref<!tpu.dma_semaphore, #tpu.memory_space<semaphore_mem>>)
      %dma_wait3A = arith.constant 0 : i32
      %dma_wait3A_44 = tpu.memref_slice %arg11[%mul3A_26, %dma_wait3A] : memref<640x16xf32, #tpu.memory_space<vmem_shared>> -> memref<20x16xf32, #tpu.memory_space<vmem_shared>>
      %dma_wait3A_45 = arith.constant 0 : i32
      %dma_wait3A_46 = tpu.memref_slice %arg11[%mul3A_26, %dma_wait3A_45] : memref<640x16xf32, #tpu.memory_space<vmem_shared>> -> memref<20x16xf32, #tpu.memory_space<vmem_shared>>
      tpu.wait_dma2 semaphore(%run_scoped3A_40 : memref<!tpu.dma_semaphore, #tpu.memory_space<semaphore_mem>>) src(%dma_wait3A_46 : memref<20x16xf32, #tpu.memory_space<vmem_shared>>) dst(%arg8 : memref<20x16xf32, #tpu.memory_space<vmem>>)
      tpu.yield
    }) : () -> ()
    %iota3A = tpu.iota {dimensions = array<i32: 0>} : vector<16xi32>
    %shift_right_logical3A = arith.constant 3 : i32
    %shift_right_logical3A_27 = vector.broadcast %shift_right_logical3A : i32 to vector<16xi32>
    %shift_right_logical3A_28 = arith.shrui %iota3A, %shift_right_logical3A_27 : vector<16xi32>
    %and3A = arith.constant 7 : i32
    %and3A_29 = vector.broadcast %and3A : i32 to vector<16xi32>
    %and3A_30 = arith.andi %iota3A, %and3A_29 : vector<16xi32>
    %shift_left3A = arith.constant 4 : i32
    %shift_left3A_31 = vector.broadcast %shift_left3A : i32 to vector<16xi32>
    %shift_left3A_32 = arith.shli %and3A_30, %shift_left3A_31 : vector<16xi32>
    %scan3A_33 = arith.constant 0 : i32
    %scan3A_34 = arith.constant 20 : i32
    %scan3A_35 = arith.addi %scan3A_33, %scan3A_34 : i32
    %scan3A_36 = arith.constant 1 : i32
    scf.for %scan3A_40 = %scan3A_33 to %scan3A_35 step %scan3A_36  : i32 {
      %mul3A_41 = arith.constant 1 : i32
      %mul3A_42 = arith.muli %scan3A_40, %mul3A_41 : i32
      %add3A_43 = arith.constant 0 : i32
      %add3A_44 = arith.addi %add3A_43, %mul3A_42 : i32
      %get3A = arith.index_cast %add3A_44 : i32 to index
      %get3A_45 = arith.constant 0 : index
      %get3A_46 = tpu.vector_load %arg8[%get3A, %get3A_45] {strides = array<i32>} : memref<20x16xf32, #tpu.memory_space<vmem>>, vector<16xf32>,
      %add3A_47 = arith.constant 1.000000e+00 : f32
      %add3A_48 = vector.broadcast %add3A_47 : f32 to vector<16xf32>
      %add3A_49 = arith.addf %get3A_46, %add3A_48 : vector<16xf32>
      %bitcast3A = vector.bitcast %add3A_49 : vector<16xf32> to vector<16xi32>
      %broadcast_in_dim3A_50 = arith.constant 1597463007 : i32
      %broadcast_in_dim3A_51 = vector.broadcast %broadcast_in_dim3A_50 : i32 to vector<16xi32>
      %shift_right_logical3A_52 = arith.constant 1 : i32
      %shift_right_logical3A_53 = vector.broadcast %shift_right_logical3A_52 : i32 to vector<16xi32>
      %shift_right_logical3A_54 = arith.shrui %bitcast3A, %shift_right_logical3A_53 : vector<16xi32>
      %sub3A = arith.subi %broadcast_in_dim3A_51, %shift_right_logical3A_54 : vector<16xi32>
      %bitcast3A_55 = vector.bitcast %sub3A : vector<16xi32> to vector<16xf32>
      %mul3A_56 = arith.constant 5.000000e-01 : f32
      %mul3A_57 = vector.broadcast %mul3A_56 : f32 to vector<16xf32>
      %mul3A_58 = arith.mulf %add3A_49, %mul3A_57 : vector<16xf32>
      %mul3A_59 = arith.mulf %mul3A_58, %bitcast3A_55 : vector<16xf32>
      %mul3A_60 = arith.mulf %mul3A_59, %bitcast3A_55 : vector<16xf32>
      %sub3A_61 = arith.constant 1.500000e+00 : f32
      %sub3A_62 = vector.broadcast %sub3A_61 : f32 to vector<16xf32>
      %sub3A_63 = arith.subf %sub3A_62, %mul3A_60 : vector<16xf32>
      %mul3A_64 = arith.mulf %bitcast3A_55, %sub3A_63 : vector<16xf32>
      %mul3A_65 = arith.mulf %mul3A_58, %mul3A_64 : vector<16xf32>
      %mul3A_66 = arith.mulf %mul3A_65, %mul3A_64 : vector<16xf32>
      %sub3A_67 = arith.constant 1.500000e+00 : f32
      %sub3A_68 = vector.broadcast %sub3A_67 : f32 to vector<16xf32>
      %sub3A_69 = arith.subf %sub3A_68, %mul3A_66 : vector<16xf32>
      %mul3A_70 = arith.mulf %mul3A_64, %sub3A_69 : vector<16xf32>
      %mul3A_71 = arith.mulf %mul3A_58, %mul3A_70 : vector<16xf32>
      %mul3A_72 = arith.mulf %mul3A_71, %mul3A_70 : vector<16xf32>
      %sub3A_73 = arith.constant 1.500000e+00 : f32
      %sub3A_74 = vector.broadcast %sub3A_73 : f32 to vector<16xf32>
      %sub3A_75 = arith.subf %sub3A_74, %mul3A_72 : vector<16xf32>
      %mul3A_76 = arith.mulf %mul3A_70, %sub3A_75 : vector<16xf32>
      %swap3A = arith.constant 0 : index
      %swap3A_77 = tpu.vector_load %arg9[%swap3A] {strides = array<i32>} : memref<16xf32, #tpu.memory_space<vmem>>, vector<16xf32>,
      tpu.vector_store %arg9[%swap3A], %mul3A_76 {strides = array<i32>} : memref<16xf32, #tpu.memory_space<vmem>>, vector<16xf32>,
      %mul3A_78 = arith.constant 2 : i32
      %mul3A_79 = arith.muli %mul3A_78, %add3A_44 : i32
      %add3A_80 = vector.broadcast %mul3A_79 : i32 to vector<16xi32>
      %add3A_81 = arith.addi %shift_right_logical3A_28, %add3A_80 : vector<16xi32>
      %add3A_82 = arith.constant 0 : i32
      %add3A_83 = vector.broadcast %add3A_82 : i32 to vector<16xi32>
      %add3A_84 = arith.addi %shift_left3A_32, %add3A_83 : vector<16xi32>
      tpu.vector_store_idx %arg10[%add3A_81, %add3A_84], %mul3A_76 : memref<40x128xf32, #tpu.memory_space<vmem>>[vector<16xi32>, vector<16xi32>], vector<16xf32>,
      %add3A_85 = arith.constant 1 : i32
      %add3A_86 = vector.broadcast %add3A_85 : i32 to vector<16xi32>
      %add3A_87 = arith.addi %shift_left3A_32, %add3A_86 : vector<16xi32>
      tpu.vector_store_idx %arg10[%add3A_81, %add3A_87], %mul3A_76 : memref<40x128xf32, #tpu.memory_space<vmem>>[vector<16xi32>, vector<16xi32>], vector<16xf32>,
      %add3A_88 = arith.constant 2 : i32
      %add3A_89 = vector.broadcast %add3A_88 : i32 to vector<16xi32>
      %add3A_90 = arith.addi %shift_left3A_32, %add3A_89 : vector<16xi32>
      tpu.vector_store_idx %arg10[%add3A_81, %add3A_90], %mul3A_76 : memref<40x128xf32, #tpu.memory_space<vmem>>[vector<16xi32>, vector<16xi32>], vector<16xf32>,
      %add3A_91 = arith.constant 3 : i32
      %add3A_92 = vector.broadcast %add3A_91 : i32 to vector<16xi32>
      %add3A_93 = arith.addi %shift_left3A_32, %add3A_92 : vector<16xi32>
      tpu.vector_store_idx %arg10[%add3A_81, %add3A_93], %mul3A_76 : memref<40x128xf32, #tpu.memory_space<vmem>>[vector<16xi32>, vector<16xi32>], vector<16xf32>,
      %add3A_94 = arith.constant 4 : i32
      %add3A_95 = vector.broadcast %add3A_94 : i32 to vector<16xi32>
      %add3A_96 = arith.addi %shift_left3A_32, %add3A_95 : vector<16xi32>
      tpu.vector_store_idx %arg10[%add3A_81, %add3A_96], %mul3A_76 : memref<40x128xf32, #tpu.memory_space<vmem>>[vector<16xi32>, vector<16xi32>], vector<16xf32>,
      %add3A_97 = arith.constant 5 : i32
      %add3A_98 = vector.broadcast %add3A_97 : i32 to vector<16xi32>
      %add3A_99 = arith.addi %shift_left3A_32, %add3A_98 : vector<16xi32>
      tpu.vector_store_idx %arg10[%add3A_81, %add3A_99], %mul3A_76 : memref<40x128xf32, #tpu.memory_space<vmem>>[vector<16xi32>, vector<16xi32>], vector<16xf32>,
      %add3A_100 = arith.constant 6 : i32
      %add3A_101 = vector.broadcast %add3A_100 : i32 to vector<16xi32>
      %add3A_102 = arith.addi %shift_left3A_32, %add3A_101 : vector<16xi32>
      tpu.vector_store_idx %arg10[%add3A_81, %add3A_102], %mul3A_76 : memref<40x128xf32, #tpu.memory_space<vmem>>[vector<16xi32>, vector<16xi32>], vector<16xf32>,
      %add3A_103 = arith.constant 7 : i32
      %add3A_104 = vector.broadcast %add3A_103 : i32 to vector<16xi32>
      %add3A_105 = arith.addi %shift_left3A_32, %add3A_104 : vector<16xi32>
      tpu.vector_store_idx %arg10[%add3A_81, %add3A_105], %mul3A_76 : memref<40x128xf32, #tpu.memory_space<vmem>>[vector<16xi32>, vector<16xi32>], vector<16xf32>,
      %add3A_106 = arith.constant 8 : i32
      %add3A_107 = vector.broadcast %add3A_106 : i32 to vector<16xi32>
      %add3A_108 = arith.addi %shift_left3A_32, %add3A_107 : vector<16xi32>
      tpu.vector_store_idx %arg10[%add3A_81, %add3A_108], %mul3A_76 : memref<40x128xf32, #tpu.memory_space<vmem>>[vector<16xi32>, vector<16xi32>], vector<16xf32>,
      %add3A_109 = arith.constant 9 : i32
      %add3A_110 = vector.broadcast %add3A_109 : i32 to vector<16xi32>
      %add3A_111 = arith.addi %shift_left3A_32, %add3A_110 : vector<16xi32>
      tpu.vector_store_idx %arg10[%add3A_81, %add3A_111], %mul3A_76 : memref<40x128xf32, #tpu.memory_space<vmem>>[vector<16xi32>, vector<16xi32>], vector<16xf32>,
      %add3A_112 = arith.constant 10 : i32
      %add3A_113 = vector.broadcast %add3A_112 : i32 to vector<16xi32>
      %add3A_114 = arith.addi %shift_left3A_32, %add3A_113 : vector<16xi32>
      tpu.vector_store_idx %arg10[%add3A_81, %add3A_114], %mul3A_76 : memref<40x128xf32, #tpu.memory_space<vmem>>[vector<16xi32>, vector<16xi32>], vector<16xf32>,
      %add3A_115 = arith.constant 11 : i32
      %add3A_116 = vector.broadcast %add3A_115 : i32 to vector<16xi32>
      %add3A_117 = arith.addi %shift_left3A_32, %add3A_116 : vector<16xi32>
      tpu.vector_store_idx %arg10[%add3A_81, %add3A_117], %mul3A_76 : memref<40x128xf32, #tpu.memory_space<vmem>>[vector<16xi32>, vector<16xi32>], vector<16xf32>,
      %add3A_118 = arith.constant 12 : i32
      %add3A_119 = vector.broadcast %add3A_118 : i32 to vector<16xi32>
      %add3A_120 = arith.addi %shift_left3A_32, %add3A_119 : vector<16xi32>
      tpu.vector_store_idx %arg10[%add3A_81, %add3A_120], %mul3A_76 : memref<40x128xf32, #tpu.memory_space<vmem>>[vector<16xi32>, vector<16xi32>], vector<16xf32>,
      %add3A_121 = arith.constant 13 : i32
      %add3A_122 = vector.broadcast %add3A_121 : i32 to vector<16xi32>
      %add3A_123 = arith.addi %shift_left3A_32, %add3A_122 : vector<16xi32>
      tpu.vector_store_idx %arg10[%add3A_81, %add3A_123], %mul3A_76 : memref<40x128xf32, #tpu.memory_space<vmem>>[vector<16xi32>, vector<16xi32>], vector<16xf32>,
      %add3A_124 = arith.constant 14 : i32
      %add3A_125 = vector.broadcast %add3A_124 : i32 to vector<16xi32>
      %add3A_126 = arith.addi %shift_left3A_32, %add3A_125 : vector<16xi32>
      tpu.vector_store_idx %arg10[%add3A_81, %add3A_126], %mul3A_76 : memref<40x128xf32, #tpu.memory_space<vmem>>[vector<16xi32>, vector<16xi32>], vector<16xf32>,
      %add3A_127 = arith.constant 15 : i32
      %add3A_128 = vector.broadcast %add3A_127 : i32 to vector<16xi32>
      %add3A_129 = arith.addi %shift_left3A_32, %add3A_128 : vector<16xi32>
      tpu.vector_store_idx %arg10[%add3A_81, %add3A_129], %mul3A_76 : memref<40x128xf32, #tpu.memory_space<vmem>>[vector<16xi32>, vector<16xi32>], vector<16xf32>,
    }
    %scan3A_37 = arith.constant 20 : i32
    %mul3A_38 = arith.constant 40 : i32
    %mul3A_39 = arith.muli %add3A, %mul3A_38 : i32
    "tpu.region"() ({
      %run_scoped3A_40 = tpu.sem_alloc : memref<!tpu.dma_semaphore, #tpu.memory_space<semaphore_mem>>
      %dma_start3A = arith.constant 0 : i32
      %dma_start3A_41 = tpu.memref_slice %arg4[%mul3A_39, %dma_start3A] : memref<1280x128xf32, #tpu.memory_space<hbm>> -> memref<40x128xf32, #tpu.memory_space<hbm>>
      %dma_start3A_42 = arith.constant 0 : i32
      %dma_start3A_43 = tpu.memref_slice %arg4[%mul3A_39, %dma_start3A_42] : memref<1280x128xf32, #tpu.memory_space<hbm>> -> memref<40x128xf32, #tpu.memory_space<hbm>>
      tpu.enqueue_dma source(%arg10 : memref<40x128xf32, #tpu.memory_space<vmem>>) target(%dma_start3A_43 : memref<40x128xf32, #tpu.memory_space<hbm>>) target_semaphore(%run_scoped3A_40 : memref<!tpu.dma_semaphore, #tpu.memory_space<semaphore_mem>>)
      %dma_wait3A = arith.constant 0 : i32
      %dma_wait3A_44 = tpu.memref_slice %arg4[%mul3A_39, %dma_wait3A] : memref<1280x128xf32, #tpu.memory_space<hbm>> -> memref<40x128xf32, #tpu.memory_space<hbm>>
      %dma_wait3A_45 = arith.constant 0 : i32
      %dma_wait3A_46 = tpu.memref_slice %arg4[%mul3A_39, %dma_wait3A_45] : memref<1280x128xf32, #tpu.memory_space<hbm>> -> memref<40x128xf32, #tpu.memory_space<hbm>>
      tpu.wait_dma2 semaphore(%run_scoped3A_40 : memref<!tpu.dma_semaphore, #tpu.memory_space<semaphore_mem>>) src(%arg10 : memref<40x128xf32, #tpu.memory_space<vmem>>) dst(%dma_wait3A_46 : memref<40x128xf32, #tpu.memory_space<hbm>>)
      tpu.yield
    }) : () -> ()
    return
  }
}

#map = affine_map<(d0, d1) -> (0, 0)>
#map1 = affine_map<(d0, d1) -> (0, 0, 0)>
module attributes {stable_mosaic.version = 14 : i64} {
  func.func @_gather_scatter_kernel(%arg0: i32, %arg1: i32, %arg2: memref<10000x16xf32, #tpu.memory_space<hbm>>, %arg3: memref<2x320000xi32, #tpu.memory_space<hbm>>, %arg4: memref<10000x16xf32, #tpu.memory_space<hbm>>, %arg5: memref<2x10000x16xf32, #tpu.memory_space<hbm>>, %arg6: memref<10880xi32, #tpu.memory_space<vmem>>, %arg7: memref<10880xi32, #tpu.memory_space<vmem>>, %arg8: memref<1024x16xf32, #tpu.memory_space<vmem>>, %arg9: memref<1024x16xf32, #tpu.memory_space<vmem>>, %arg10: memref<!tpu.dma_semaphore, #tpu.memory_space<semaphore_mem>>, %arg11: memref<!tpu.dma_semaphore, #tpu.memory_space<semaphore_mem>>, %arg12: memref<!tpu.dma_semaphore, #tpu.memory_space<semaphore_mem>>, %arg13: memref<!tpu.dma_semaphore, #tpu.memory_space<semaphore_mem>>, %arg14: memref<10000x16xf32, #tpu.memory_space<vmem_shared>>) attributes {dimension_semantics = [#tpu.dimension_semantics<core_parallel>, #tpu.dimension_semantics<subcore_parallel>], iteration_bounds = array<i64: 2, 16>, scalar_prefetch = 0 : i64, scratch_operands = 9 : i64, tpu.core_type = #tpu.core_type<sc_vector_subcore>, window_params = [{transform_indices = #map}, {transform_indices = #map}, {transform_indices = #map}, {transform_indices = #map1}]} {
    %mul3A = arith.constant 625 : i32
    %mul3A_0 = arith.muli %arg1, %mul3A : i32
    %mul3A_1 = arith.constant 625 : i32
    %mul3A_2 = arith.muli %arg1, %mul3A_1 : i32
    "tpu.region"() ({
      %run_scoped3A = tpu.sem_alloc : memref<!tpu.dma_semaphore, #tpu.memory_space<semaphore_mem>>
      %dma_start3A = arith.constant 0 : i32
      %dma_start3A_57 = tpu.memref_slice %arg14[%mul3A_2, %dma_start3A] : memref<10000x16xf32, #tpu.memory_space<vmem_shared>> -> memref<625x16xf32, #tpu.memory_space<vmem_shared>>
      %dma_start3A_58 = arith.constant 0 : i32
      %dma_start3A_59 = tpu.memref_slice %arg4[%mul3A_0, %dma_start3A_58] : memref<10000x16xf32, #tpu.memory_space<hbm>> -> memref<625x16xf32, #tpu.memory_space<hbm>>
      tpu.enqueue_dma source(%dma_start3A_59 : memref<625x16xf32, #tpu.memory_space<hbm>>) target(%dma_start3A_57 : memref<625x16xf32, #tpu.memory_space<vmem_shared>>) target_semaphore(%run_scoped3A : memref<!tpu.dma_semaphore, #tpu.memory_space<semaphore_mem>>)
      %dma_wait3A = arith.constant 0 : i32
      %dma_wait3A_60 = tpu.memref_slice %arg14[%mul3A_2, %dma_wait3A] : memref<10000x16xf32, #tpu.memory_space<vmem_shared>> -> memref<625x16xf32, #tpu.memory_space<vmem_shared>>
      %dma_wait3A_61 = arith.constant 0 : i32
      %dma_wait3A_62 = tpu.memref_slice %arg4[%mul3A_0, %dma_wait3A_61] : memref<10000x16xf32, #tpu.memory_space<hbm>> -> memref<625x16xf32, #tpu.memory_space<hbm>>
      tpu.wait_dma2 semaphore(%run_scoped3A : memref<!tpu.dma_semaphore, #tpu.memory_space<semaphore_mem>>) src(%dma_wait3A_62 : memref<625x16xf32, #tpu.memory_space<hbm>>) dst(%dma_wait3A_60 : memref<625x16xf32, #tpu.memory_space<vmem_shared>>)
      tpu.yield
    }) : () -> ()
    %eq3A = arith.constant 0 : i32
    %eq3A_3 = arith.cmpi eq, %arg0, %eq3A : i32
    %convert_element_type3A = arith.extui %eq3A_3 : i1 to i32
    %cond3A = arith.constant 0 : i32
    %cond3A_4 = arith.cmpi ne, %convert_element_type3A, %cond3A : i32
    scf.if %cond3A_4 {
      %mul3A_57 = arith.constant 10752 : i32
      %mul3A_58 = arith.muli %arg1, %mul3A_57 : i32
      %run_scoped3A = arith.constant 0 : i32
      "tpu.region"() ({
        %run_scoped3A_59 = tpu.sem_alloc : memref<!tpu.dma_semaphore, #tpu.memory_space<semaphore_mem>>
        %dma_start3A = arith.constant 0 : i32
        %dma_start3A_60 = tpu.memref_slice %arg6[%dma_start3A] : memref<10880xi32, #tpu.memory_space<vmem>> -> memref<10752xi32, #tpu.memory_space<vmem>>
        %dma_start3A_61 = tpu.memref_slice %arg3[%run_scoped3A, %mul3A_58] : memref<2x320000xi32, #tpu.memory_space<hbm>> -> memref<1x10752xi32, #tpu.memory_space<hbm>>
        %dma_start3A_62 = tpu.memref_squeeze %dma_start3A_61 : memref<1x10752xi32, #tpu.memory_space<hbm>> -> memref<10752xi32, #tpu.memory_space<hbm>>
        %dma_start3A_63 = arith.constant 0 : i32
        %dma_start3A_64 = tpu.memref_slice %arg6[%dma_start3A_63] : memref<10880xi32, #tpu.memory_space<vmem>> -> memref<10752xi32, #tpu.memory_space<vmem>>
        %dma_start3A_65 = tpu.memref_slice %arg3[%run_scoped3A, %mul3A_58] : memref<2x320000xi32, #tpu.memory_space<hbm>> -> memref<1x10752xi32, #tpu.memory_space<hbm>>
        %dma_start3A_66 = tpu.memref_squeeze %dma_start3A_65 : memref<1x10752xi32, #tpu.memory_space<hbm>> -> memref<10752xi32, #tpu.memory_space<hbm>>
        tpu.enqueue_dma source(%dma_start3A_66 : memref<10752xi32, #tpu.memory_space<hbm>>) target(%dma_start3A_64 : memref<10752xi32, #tpu.memory_space<vmem>>) target_semaphore(%run_scoped3A_59 : memref<!tpu.dma_semaphore, #tpu.memory_space<semaphore_mem>>)
        %dma_wait3A = arith.constant 0 : i32
        %dma_wait3A_67 = tpu.memref_slice %arg6[%dma_wait3A] : memref<10880xi32, #tpu.memory_space<vmem>> -> memref<10752xi32, #tpu.memory_space<vmem>>
        %dma_wait3A_68 = tpu.memref_slice %arg3[%run_scoped3A, %mul3A_58] : memref<2x320000xi32, #tpu.memory_space<hbm>> -> memref<1x10752xi32, #tpu.memory_space<hbm>>
        %dma_wait3A_69 = tpu.memref_squeeze %dma_wait3A_68 : memref<1x10752xi32, #tpu.memory_space<hbm>> -> memref<10752xi32, #tpu.memory_space<hbm>>
        %dma_wait3A_70 = arith.constant 0 : i32
        %dma_wait3A_71 = tpu.memref_slice %arg6[%dma_wait3A_70] : memref<10880xi32, #tpu.memory_space<vmem>> -> memref<10752xi32, #tpu.memory_space<vmem>>
        %dma_wait3A_72 = tpu.memref_slice %arg3[%run_scoped3A, %mul3A_58] : memref<2x320000xi32, #tpu.memory_space<hbm>> -> memref<1x10752xi32, #tpu.memory_space<hbm>>
        %dma_wait3A_73 = tpu.memref_squeeze %dma_wait3A_72 : memref<1x10752xi32, #tpu.memory_space<hbm>> -> memref<10752xi32, #tpu.memory_space<hbm>>
        tpu.wait_dma2 semaphore(%run_scoped3A_59 : memref<!tpu.dma_semaphore, #tpu.memory_space<semaphore_mem>>) src(%dma_wait3A_73 : memref<10752xi32, #tpu.memory_space<hbm>>) dst(%dma_wait3A_71 : memref<10752xi32, #tpu.memory_space<vmem>>)
        tpu.yield
      }) : () -> ()
    } else {
    }
    %eq3A_5 = arith.constant 1 : i32
    %eq3A_6 = arith.cmpi eq, %arg0, %eq3A_5 : i32
    %convert_element_type3A_7 = arith.extui %eq3A_6 : i1 to i32
    %cond3A_8 = arith.constant 0 : i32
    %cond3A_9 = arith.cmpi ne, %convert_element_type3A_7, %cond3A_8 : i32
    scf.if %cond3A_9 {
      %mul3A_57 = arith.constant 9216 : i32
      %mul3A_58 = arith.muli %arg1, %mul3A_57 : i32
      %add3A = arith.constant 172032 : i32
      %add3A_59 = arith.addi %add3A, %mul3A_58 : i32
      %run_scoped3A = arith.constant 0 : i32
      "tpu.region"() ({
        %run_scoped3A_60 = tpu.sem_alloc : memref<!tpu.dma_semaphore, #tpu.memory_space<semaphore_mem>>
        %dma_start3A = arith.constant 0 : i32
        %dma_start3A_61 = tpu.memref_slice %arg6[%dma_start3A] : memref<10880xi32, #tpu.memory_space<vmem>> -> memref<9216xi32, #tpu.memory_space<vmem>>
        %dma_start3A_62 = tpu.memref_slice %arg3[%run_scoped3A, %add3A_59] : memref<2x320000xi32, #tpu.memory_space<hbm>> -> memref<1x9216xi32, #tpu.memory_space<hbm>>
        %dma_start3A_63 = tpu.memref_squeeze %dma_start3A_62 : memref<1x9216xi32, #tpu.memory_space<hbm>> -> memref<9216xi32, #tpu.memory_space<hbm>>
        %dma_start3A_64 = arith.constant 0 : i32
        %dma_start3A_65 = tpu.memref_slice %arg6[%dma_start3A_64] : memref<10880xi32, #tpu.memory_space<vmem>> -> memref<9216xi32, #tpu.memory_space<vmem>>
        %dma_start3A_66 = tpu.memref_slice %arg3[%run_scoped3A, %add3A_59] : memref<2x320000xi32, #tpu.memory_space<hbm>> -> memref<1x9216xi32, #tpu.memory_space<hbm>>
        %dma_start3A_67 = tpu.memref_squeeze %dma_start3A_66 : memref<1x9216xi32, #tpu.memory_space<hbm>> -> memref<9216xi32, #tpu.memory_space<hbm>>
        tpu.enqueue_dma source(%dma_start3A_67 : memref<9216xi32, #tpu.memory_space<hbm>>) target(%dma_start3A_65 : memref<9216xi32, #tpu.memory_space<vmem>>) target_semaphore(%run_scoped3A_60 : memref<!tpu.dma_semaphore, #tpu.memory_space<semaphore_mem>>)
        %dma_wait3A = arith.constant 0 : i32
        %dma_wait3A_68 = tpu.memref_slice %arg6[%dma_wait3A] : memref<10880xi32, #tpu.memory_space<vmem>> -> memref<9216xi32, #tpu.memory_space<vmem>>
        %dma_wait3A_69 = tpu.memref_slice %arg3[%run_scoped3A, %add3A_59] : memref<2x320000xi32, #tpu.memory_space<hbm>> -> memref<1x9216xi32, #tpu.memory_space<hbm>>
        %dma_wait3A_70 = tpu.memref_squeeze %dma_wait3A_69 : memref<1x9216xi32, #tpu.memory_space<hbm>> -> memref<9216xi32, #tpu.memory_space<hbm>>
        %dma_wait3A_71 = arith.constant 0 : i32
        %dma_wait3A_72 = tpu.memref_slice %arg6[%dma_wait3A_71] : memref<10880xi32, #tpu.memory_space<vmem>> -> memref<9216xi32, #tpu.memory_space<vmem>>
        %dma_wait3A_73 = tpu.memref_slice %arg3[%run_scoped3A, %add3A_59] : memref<2x320000xi32, #tpu.memory_space<hbm>> -> memref<1x9216xi32, #tpu.memory_space<hbm>>
        %dma_wait3A_74 = tpu.memref_squeeze %dma_wait3A_73 : memref<1x9216xi32, #tpu.memory_space<hbm>> -> memref<9216xi32, #tpu.memory_space<hbm>>
        tpu.wait_dma2 semaphore(%run_scoped3A_60 : memref<!tpu.dma_semaphore, #tpu.memory_space<semaphore_mem>>) src(%dma_wait3A_74 : memref<9216xi32, #tpu.memory_space<hbm>>) dst(%dma_wait3A_72 : memref<9216xi32, #tpu.memory_space<vmem>>)
        tpu.yield
      }) : () -> ()
    } else {
    }
    %eq3A_10 = arith.constant 0 : i32
    %eq3A_11 = arith.cmpi eq, %arg0, %eq3A_10 : i32
    %lt3A = arith.constant 4 : i32
    %lt3A_12 = arith.cmpi slt, %arg1, %lt3A : i32
    %and3A = arith.andi %eq3A_11, %lt3A_12 : i1
    %convert_element_type3A_13 = arith.extui %and3A : i1 to i32
    %cond3A_14 = arith.constant 0 : i32
    %cond3A_15 = arith.cmpi ne, %convert_element_type3A_13, %cond3A_14 : i32
    scf.if %cond3A_15 {
      %mul3A_57 = arith.constant 128 : i32
      %mul3A_58 = arith.muli %arg1, %mul3A_57 : i32
      %add3A = arith.constant 319488 : i32
      %add3A_59 = arith.addi %add3A, %mul3A_58 : i32
      %run_scoped3A = arith.constant 0 : i32
      "tpu.region"() ({
        %run_scoped3A_60 = tpu.sem_alloc : memref<!tpu.dma_semaphore, #tpu.memory_space<semaphore_mem>>
        %dma_start3A = arith.constant 10752 : i32
        %dma_start3A_61 = tpu.memref_slice %arg6[%dma_start3A] : memref<10880xi32, #tpu.memory_space<vmem>> -> memref<128xi32, #tpu.memory_space<vmem>>
        %dma_start3A_62 = tpu.memref_slice %arg3[%run_scoped3A, %add3A_59] : memref<2x320000xi32, #tpu.memory_space<hbm>> -> memref<1x128xi32, #tpu.memory_space<hbm>>
        %dma_start3A_63 = tpu.memref_squeeze %dma_start3A_62 : memref<1x128xi32, #tpu.memory_space<hbm>> -> memref<128xi32, #tpu.memory_space<hbm>>
        %dma_start3A_64 = arith.constant 10752 : i32
        %dma_start3A_65 = tpu.memref_slice %arg6[%dma_start3A_64] : memref<10880xi32, #tpu.memory_space<vmem>> -> memref<128xi32, #tpu.memory_space<vmem>>
        %dma_start3A_66 = tpu.memref_slice %arg3[%run_scoped3A, %add3A_59] : memref<2x320000xi32, #tpu.memory_space<hbm>> -> memref<1x128xi32, #tpu.memory_space<hbm>>
        %dma_start3A_67 = tpu.memref_squeeze %dma_start3A_66 : memref<1x128xi32, #tpu.memory_space<hbm>> -> memref<128xi32, #tpu.memory_space<hbm>>
        tpu.enqueue_dma source(%dma_start3A_67 : memref<128xi32, #tpu.memory_space<hbm>>) target(%dma_start3A_65 : memref<128xi32, #tpu.memory_space<vmem>>) target_semaphore(%run_scoped3A_60 : memref<!tpu.dma_semaphore, #tpu.memory_space<semaphore_mem>>)
        %dma_wait3A = arith.constant 10752 : i32
        %dma_wait3A_68 = tpu.memref_slice %arg6[%dma_wait3A] : memref<10880xi32, #tpu.memory_space<vmem>> -> memref<128xi32, #tpu.memory_space<vmem>>
        %dma_wait3A_69 = tpu.memref_slice %arg3[%run_scoped3A, %add3A_59] : memref<2x320000xi32, #tpu.memory_space<hbm>> -> memref<1x128xi32, #tpu.memory_space<hbm>>
        %dma_wait3A_70 = tpu.memref_squeeze %dma_wait3A_69 : memref<1x128xi32, #tpu.memory_space<hbm>> -> memref<128xi32, #tpu.memory_space<hbm>>
        %dma_wait3A_71 = arith.constant 10752 : i32
        %dma_wait3A_72 = tpu.memref_slice %arg6[%dma_wait3A_71] : memref<10880xi32, #tpu.memory_space<vmem>> -> memref<128xi32, #tpu.memory_space<vmem>>
        %dma_wait3A_73 = tpu.memref_slice %arg3[%run_scoped3A, %add3A_59] : memref<2x320000xi32, #tpu.memory_space<hbm>> -> memref<1x128xi32, #tpu.memory_space<hbm>>
        %dma_wait3A_74 = tpu.memref_squeeze %dma_wait3A_73 : memref<1x128xi32, #tpu.memory_space<hbm>> -> memref<128xi32, #tpu.memory_space<hbm>>
        tpu.wait_dma2 semaphore(%run_scoped3A_60 : memref<!tpu.dma_semaphore, #tpu.memory_space<semaphore_mem>>) src(%dma_wait3A_74 : memref<128xi32, #tpu.memory_space<hbm>>) dst(%dma_wait3A_72 : memref<128xi32, #tpu.memory_space<vmem>>)
        tpu.yield
      }) : () -> ()
    } else {
    }
    %eq3A_16 = arith.constant 0 : i32
    %eq3A_17 = arith.cmpi eq, %arg0, %eq3A_16 : i32
    %convert_element_type3A_18 = arith.extui %eq3A_17 : i1 to i32
    %cond3A_19 = arith.constant 0 : i32
    %cond3A_20 = arith.cmpi ne, %convert_element_type3A_18, %cond3A_19 : i32
    scf.if %cond3A_20 {
      %mul3A_57 = arith.constant 10752 : i32
      %mul3A_58 = arith.muli %arg1, %mul3A_57 : i32
      %run_scoped3A = arith.constant 1 : i32
      "tpu.region"() ({
        %run_scoped3A_59 = tpu.sem_alloc : memref<!tpu.dma_semaphore, #tpu.memory_space<semaphore_mem>>
        %dma_start3A = arith.constant 0 : i32
        %dma_start3A_60 = tpu.memref_slice %arg7[%dma_start3A] : memref<10880xi32, #tpu.memory_space<vmem>> -> memref<10752xi32, #tpu.memory_space<vmem>>
        %dma_start3A_61 = tpu.memref_slice %arg3[%run_scoped3A, %mul3A_58] : memref<2x320000xi32, #tpu.memory_space<hbm>> -> memref<1x10752xi32, #tpu.memory_space<hbm>>
        %dma_start3A_62 = tpu.memref_squeeze %dma_start3A_61 : memref<1x10752xi32, #tpu.memory_space<hbm>> -> memref<10752xi32, #tpu.memory_space<hbm>>
        %dma_start3A_63 = arith.constant 0 : i32
        %dma_start3A_64 = tpu.memref_slice %arg7[%dma_start3A_63] : memref<10880xi32, #tpu.memory_space<vmem>> -> memref<10752xi32, #tpu.memory_space<vmem>>
        %dma_start3A_65 = tpu.memref_slice %arg3[%run_scoped3A, %mul3A_58] : memref<2x320000xi32, #tpu.memory_space<hbm>> -> memref<1x10752xi32, #tpu.memory_space<hbm>>
        %dma_start3A_66 = tpu.memref_squeeze %dma_start3A_65 : memref<1x10752xi32, #tpu.memory_space<hbm>> -> memref<10752xi32, #tpu.memory_space<hbm>>
        tpu.enqueue_dma source(%dma_start3A_66 : memref<10752xi32, #tpu.memory_space<hbm>>) target(%dma_start3A_64 : memref<10752xi32, #tpu.memory_space<vmem>>) target_semaphore(%run_scoped3A_59 : memref<!tpu.dma_semaphore, #tpu.memory_space<semaphore_mem>>)
        %dma_wait3A = arith.constant 0 : i32
        %dma_wait3A_67 = tpu.memref_slice %arg7[%dma_wait3A] : memref<10880xi32, #tpu.memory_space<vmem>> -> memref<10752xi32, #tpu.memory_space<vmem>>
        %dma_wait3A_68 = tpu.memref_slice %arg3[%run_scoped3A, %mul3A_58] : memref<2x320000xi32, #tpu.memory_space<hbm>> -> memref<1x10752xi32, #tpu.memory_space<hbm>>
        %dma_wait3A_69 = tpu.memref_squeeze %dma_wait3A_68 : memref<1x10752xi32, #tpu.memory_space<hbm>> -> memref<10752xi32, #tpu.memory_space<hbm>>
        %dma_wait3A_70 = arith.constant 0 : i32
        %dma_wait3A_71 = tpu.memref_slice %arg7[%dma_wait3A_70] : memref<10880xi32, #tpu.memory_space<vmem>> -> memref<10752xi32, #tpu.memory_space<vmem>>
        %dma_wait3A_72 = tpu.memref_slice %arg3[%run_scoped3A, %mul3A_58] : memref<2x320000xi32, #tpu.memory_space<hbm>> -> memref<1x10752xi32, #tpu.memory_space<hbm>>
        %dma_wait3A_73 = tpu.memref_squeeze %dma_wait3A_72 : memref<1x10752xi32, #tpu.memory_space<hbm>> -> memref<10752xi32, #tpu.memory_space<hbm>>
        tpu.wait_dma2 semaphore(%run_scoped3A_59 : memref<!tpu.dma_semaphore, #tpu.memory_space<semaphore_mem>>) src(%dma_wait3A_73 : memref<10752xi32, #tpu.memory_space<hbm>>) dst(%dma_wait3A_71 : memref<10752xi32, #tpu.memory_space<vmem>>)
        tpu.yield
      }) : () -> ()
    } else {
    }
    %eq3A_21 = arith.constant 1 : i32
    %eq3A_22 = arith.cmpi eq, %arg0, %eq3A_21 : i32
    %convert_element_type3A_23 = arith.extui %eq3A_22 : i1 to i32
    %cond3A_24 = arith.constant 0 : i32
    %cond3A_25 = arith.cmpi ne, %convert_element_type3A_23, %cond3A_24 : i32
    scf.if %cond3A_25 {
      %mul3A_57 = arith.constant 9216 : i32
      %mul3A_58 = arith.muli %arg1, %mul3A_57 : i32
      %add3A = arith.constant 172032 : i32
      %add3A_59 = arith.addi %add3A, %mul3A_58 : i32
      %run_scoped3A = arith.constant 1 : i32
      "tpu.region"() ({
        %run_scoped3A_60 = tpu.sem_alloc : memref<!tpu.dma_semaphore, #tpu.memory_space<semaphore_mem>>
        %dma_start3A = arith.constant 0 : i32
        %dma_start3A_61 = tpu.memref_slice %arg7[%dma_start3A] : memref<10880xi32, #tpu.memory_space<vmem>> -> memref<9216xi32, #tpu.memory_space<vmem>>
        %dma_start3A_62 = tpu.memref_slice %arg3[%run_scoped3A, %add3A_59] : memref<2x320000xi32, #tpu.memory_space<hbm>> -> memref<1x9216xi32, #tpu.memory_space<hbm>>
        %dma_start3A_63 = tpu.memref_squeeze %dma_start3A_62 : memref<1x9216xi32, #tpu.memory_space<hbm>> -> memref<9216xi32, #tpu.memory_space<hbm>>
        %dma_start3A_64 = arith.constant 0 : i32
        %dma_start3A_65 = tpu.memref_slice %arg7[%dma_start3A_64] : memref<10880xi32, #tpu.memory_space<vmem>> -> memref<9216xi32, #tpu.memory_space<vmem>>
        %dma_start3A_66 = tpu.memref_slice %arg3[%run_scoped3A, %add3A_59] : memref<2x320000xi32, #tpu.memory_space<hbm>> -> memref<1x9216xi32, #tpu.memory_space<hbm>>
        %dma_start3A_67 = tpu.memref_squeeze %dma_start3A_66 : memref<1x9216xi32, #tpu.memory_space<hbm>> -> memref<9216xi32, #tpu.memory_space<hbm>>
        tpu.enqueue_dma source(%dma_start3A_67 : memref<9216xi32, #tpu.memory_space<hbm>>) target(%dma_start3A_65 : memref<9216xi32, #tpu.memory_space<vmem>>) target_semaphore(%run_scoped3A_60 : memref<!tpu.dma_semaphore, #tpu.memory_space<semaphore_mem>>)
        %dma_wait3A = arith.constant 0 : i32
        %dma_wait3A_68 = tpu.memref_slice %arg7[%dma_wait3A] : memref<10880xi32, #tpu.memory_space<vmem>> -> memref<9216xi32, #tpu.memory_space<vmem>>
        %dma_wait3A_69 = tpu.memref_slice %arg3[%run_scoped3A, %add3A_59] : memref<2x320000xi32, #tpu.memory_space<hbm>> -> memref<1x9216xi32, #tpu.memory_space<hbm>>
        %dma_wait3A_70 = tpu.memref_squeeze %dma_wait3A_69 : memref<1x9216xi32, #tpu.memory_space<hbm>> -> memref<9216xi32, #tpu.memory_space<hbm>>
        %dma_wait3A_71 = arith.constant 0 : i32
        %dma_wait3A_72 = tpu.memref_slice %arg7[%dma_wait3A_71] : memref<10880xi32, #tpu.memory_space<vmem>> -> memref<9216xi32, #tpu.memory_space<vmem>>
        %dma_wait3A_73 = tpu.memref_slice %arg3[%run_scoped3A, %add3A_59] : memref<2x320000xi32, #tpu.memory_space<hbm>> -> memref<1x9216xi32, #tpu.memory_space<hbm>>
        %dma_wait3A_74 = tpu.memref_squeeze %dma_wait3A_73 : memref<1x9216xi32, #tpu.memory_space<hbm>> -> memref<9216xi32, #tpu.memory_space<hbm>>
        tpu.wait_dma2 semaphore(%run_scoped3A_60 : memref<!tpu.dma_semaphore, #tpu.memory_space<semaphore_mem>>) src(%dma_wait3A_74 : memref<9216xi32, #tpu.memory_space<hbm>>) dst(%dma_wait3A_72 : memref<9216xi32, #tpu.memory_space<vmem>>)
        tpu.yield
      }) : () -> ()
    } else {
    }
    %eq3A_26 = arith.constant 0 : i32
    %eq3A_27 = arith.cmpi eq, %arg0, %eq3A_26 : i32
    %lt3A_28 = arith.constant 4 : i32
    %lt3A_29 = arith.cmpi slt, %arg1, %lt3A_28 : i32
    %and3A_30 = arith.andi %eq3A_27, %lt3A_29 : i1
    %convert_element_type3A_31 = arith.extui %and3A_30 : i1 to i32
    %cond3A_32 = arith.constant 0 : i32
    %cond3A_33 = arith.cmpi ne, %convert_element_type3A_31, %cond3A_32 : i32
    scf.if %cond3A_33 {
      %mul3A_57 = arith.constant 128 : i32
      %mul3A_58 = arith.muli %arg1, %mul3A_57 : i32
      %add3A = arith.constant 319488 : i32
      %add3A_59 = arith.addi %add3A, %mul3A_58 : i32
      %run_scoped3A = arith.constant 1 : i32
      "tpu.region"() ({
        %run_scoped3A_60 = tpu.sem_alloc : memref<!tpu.dma_semaphore, #tpu.memory_space<semaphore_mem>>
        %dma_start3A = arith.constant 10752 : i32
        %dma_start3A_61 = tpu.memref_slice %arg7[%dma_start3A] : memref<10880xi32, #tpu.memory_space<vmem>> -> memref<128xi32, #tpu.memory_space<vmem>>
        %dma_start3A_62 = tpu.memref_slice %arg3[%run_scoped3A, %add3A_59] : memref<2x320000xi32, #tpu.memory_space<hbm>> -> memref<1x128xi32, #tpu.memory_space<hbm>>
        %dma_start3A_63 = tpu.memref_squeeze %dma_start3A_62 : memref<1x128xi32, #tpu.memory_space<hbm>> -> memref<128xi32, #tpu.memory_space<hbm>>
        %dma_start3A_64 = arith.constant 10752 : i32
        %dma_start3A_65 = tpu.memref_slice %arg7[%dma_start3A_64] : memref<10880xi32, #tpu.memory_space<vmem>> -> memref<128xi32, #tpu.memory_space<vmem>>
        %dma_start3A_66 = tpu.memref_slice %arg3[%run_scoped3A, %add3A_59] : memref<2x320000xi32, #tpu.memory_space<hbm>> -> memref<1x128xi32, #tpu.memory_space<hbm>>
        %dma_start3A_67 = tpu.memref_squeeze %dma_start3A_66 : memref<1x128xi32, #tpu.memory_space<hbm>> -> memref<128xi32, #tpu.memory_space<hbm>>
        tpu.enqueue_dma source(%dma_start3A_67 : memref<128xi32, #tpu.memory_space<hbm>>) target(%dma_start3A_65 : memref<128xi32, #tpu.memory_space<vmem>>) target_semaphore(%run_scoped3A_60 : memref<!tpu.dma_semaphore, #tpu.memory_space<semaphore_mem>>)
        %dma_wait3A = arith.constant 10752 : i32
        %dma_wait3A_68 = tpu.memref_slice %arg7[%dma_wait3A] : memref<10880xi32, #tpu.memory_space<vmem>> -> memref<128xi32, #tpu.memory_space<vmem>>
        %dma_wait3A_69 = tpu.memref_slice %arg3[%run_scoped3A, %add3A_59] : memref<2x320000xi32, #tpu.memory_space<hbm>> -> memref<1x128xi32, #tpu.memory_space<hbm>>
        %dma_wait3A_70 = tpu.memref_squeeze %dma_wait3A_69 : memref<1x128xi32, #tpu.memory_space<hbm>> -> memref<128xi32, #tpu.memory_space<hbm>>
        %dma_wait3A_71 = arith.constant 10752 : i32
        %dma_wait3A_72 = tpu.memref_slice %arg7[%dma_wait3A_71] : memref<10880xi32, #tpu.memory_space<vmem>> -> memref<128xi32, #tpu.memory_space<vmem>>
        %dma_wait3A_73 = tpu.memref_slice %arg3[%run_scoped3A, %add3A_59] : memref<2x320000xi32, #tpu.memory_space<hbm>> -> memref<1x128xi32, #tpu.memory_space<hbm>>
        %dma_wait3A_74 = tpu.memref_squeeze %dma_wait3A_73 : memref<1x128xi32, #tpu.memory_space<hbm>> -> memref<128xi32, #tpu.memory_space<hbm>>
        tpu.wait_dma2 semaphore(%run_scoped3A_60 : memref<!tpu.dma_semaphore, #tpu.memory_space<semaphore_mem>>) src(%dma_wait3A_74 : memref<128xi32, #tpu.memory_space<hbm>>) dst(%dma_wait3A_72 : memref<128xi32, #tpu.memory_space<vmem>>)
        tpu.yield
      }) : () -> ()
    } else {
    }
    %barrier3A = arith.constant 0 : index
    tpu.barrier barrier_id(%barrier3A)
    %eq3A_34 = arith.constant 0 : i32
    %eq3A_35 = arith.cmpi eq, %arg0, %eq3A_34 : i32
    %convert_element_type3A_36 = arith.extui %eq3A_35 : i1 to i32
    %cond3A_37 = arith.constant 0 : i32
    %cond3A_38 = arith.cmpi ne, %convert_element_type3A_36, %cond3A_37 : i32
    scf.if %cond3A_38 {
      %dma_start3A = arith.constant 0 : i32
      %dma_start3A_57 = tpu.memref_slice %arg6[%dma_start3A] : memref<10880xi32, #tpu.memory_space<vmem>> -> memref<1024xi32, #tpu.memory_space<vmem>>
      %dma_start3A_58 = arith.constant 0 : i32
      %dma_start3A_59 = arith.constant 0 : i32
      %dma_start3A_60 = tpu.memref_slice %arg2[%dma_start3A_58, %dma_start3A_59] : memref<10000x16xf32, #tpu.memory_space<hbm>> -> memref<10000x16xf32, #tpu.memory_space<hbm>>
      tpu.enqueue_indirect_dma source(%dma_start3A_60 : memref<10000x16xf32, #tpu.memory_space<hbm>>) target(%arg8 : memref<1024x16xf32, #tpu.memory_space<vmem>>) offsets(%dma_start3A_57 : memref<1024xi32, #tpu.memory_space<vmem>>) semaphore(%arg10 : memref<!tpu.dma_semaphore, #tpu.memory_space<semaphore_mem>>)
      %dma_start3A_61 = arith.constant 1024 : i32
      %dma_start3A_62 = tpu.memref_slice %arg6[%dma_start3A_61] : memref<10880xi32, #tpu.memory_space<vmem>> -> memref<1024xi32, #tpu.memory_space<vmem>>
      %dma_start3A_63 = arith.constant 0 : i32
      %dma_start3A_64 = arith.constant 0 : i32
      %dma_start3A_65 = tpu.memref_slice %arg2[%dma_start3A_63, %dma_start3A_64] : memref<10000x16xf32, #tpu.memory_space<hbm>> -> memref<10000x16xf32, #tpu.memory_space<hbm>>
      tpu.enqueue_indirect_dma source(%dma_start3A_65 : memref<10000x16xf32, #tpu.memory_space<hbm>>) target(%arg9 : memref<1024x16xf32, #tpu.memory_space<vmem>>) offsets(%dma_start3A_62 : memref<1024xi32, #tpu.memory_space<vmem>>) semaphore(%arg11 : memref<!tpu.dma_semaphore, #tpu.memory_space<semaphore_mem>>)
      %dma_wait3A = arith.constant 0 : i32
      %dma_wait3A_66 = tpu.memref_slice %arg6[%dma_wait3A] : memref<10880xi32, #tpu.memory_space<vmem>> -> memref<1024xi32, #tpu.memory_space<vmem>>
      %dma_wait3A_67 = arith.constant 0 : i32
      %dma_wait3A_68 = arith.constant 0 : i32
      %dma_wait3A_69 = tpu.memref_slice %arg2[%dma_wait3A_67, %dma_wait3A_68] : memref<10000x16xf32, #tpu.memory_space<hbm>> -> memref<10000x16xf32, #tpu.memory_space<hbm>>
      tpu.wait_indirect_dma semaphore(%arg10 : memref<!tpu.dma_semaphore, #tpu.memory_space<semaphore_mem>>) src(%dma_wait3A_69 : memref<10000x16xf32, #tpu.memory_space<hbm>>) dst(%arg8 : memref<1024x16xf32, #tpu.memory_space<vmem>>)
      %dma_start3A_70 = arith.constant 0 : i32
      %dma_start3A_71 = tpu.memref_slice %arg7[%dma_start3A_70] : memref<10880xi32, #tpu.memory_space<vmem>> -> memref<1024xi32, #tpu.memory_space<vmem>>
      %dma_start3A_72 = arith.constant 0 : i32
      %dma_start3A_73 = arith.constant 0 : i32
      %dma_start3A_74 = tpu.memref_slice %arg14[%dma_start3A_72, %dma_start3A_73] : memref<10000x16xf32, #tpu.memory_space<vmem_shared>> -> memref<10000x16xf32, #tpu.memory_space<vmem_shared>>
      tpu.enqueue_indirect_dma source(%arg8 : memref<1024x16xf32, #tpu.memory_space<vmem>>) target(%dma_start3A_74 : memref<10000x16xf32, #tpu.memory_space<vmem_shared>>) offsets(%dma_start3A_71 : memref<1024xi32, #tpu.memory_space<vmem>>) semaphore(%arg12 : memref<!tpu.dma_semaphore, #tpu.memory_space<semaphore_mem>>) {add = true}
      %dma_wait3A_75 = arith.constant 0 : i32
      %dma_wait3A_76 = tpu.memref_slice %arg7[%dma_wait3A_75] : memref<10880xi32, #tpu.memory_space<vmem>> -> memref<1024xi32, #tpu.memory_space<vmem>>
      %dma_wait3A_77 = arith.constant 0 : i32
      %dma_wait3A_78 = arith.constant 0 : i32
      %dma_wait3A_79 = tpu.memref_slice %arg14[%dma_wait3A_77, %dma_wait3A_78] : memref<10000x16xf32, #tpu.memory_space<vmem_shared>> -> memref<10000x16xf32, #tpu.memory_space<vmem_shared>>
      tpu.wait_indirect_dma semaphore(%arg12 : memref<!tpu.dma_semaphore, #tpu.memory_space<semaphore_mem>>) src(%arg8 : memref<1024x16xf32, #tpu.memory_space<vmem>>) dst(%dma_wait3A_79 : memref<10000x16xf32, #tpu.memory_space<vmem_shared>>)
      %dma_start3A_80 = arith.constant 2048 : i32
      %dma_start3A_81 = tpu.memref_slice %arg6[%dma_start3A_80] : memref<10880xi32, #tpu.memory_space<vmem>> -> memref<1024xi32, #tpu.memory_space<vmem>>
      %dma_start3A_82 = arith.constant 0 : i32
      %dma_start3A_83 = arith.constant 0 : i32
      %dma_start3A_84 = tpu.memref_slice %arg2[%dma_start3A_82, %dma_start3A_83] : memref<10000x16xf32, #tpu.memory_space<hbm>> -> memref<10000x16xf32, #tpu.memory_space<hbm>>
      tpu.enqueue_indirect_dma source(%dma_start3A_84 : memref<10000x16xf32, #tpu.memory_space<hbm>>) target(%arg8 : memref<1024x16xf32, #tpu.memory_space<vmem>>) offsets(%dma_start3A_81 : memref<1024xi32, #tpu.memory_space<vmem>>) semaphore(%arg10 : memref<!tpu.dma_semaphore, #tpu.memory_space<semaphore_mem>>)
      %dma_wait3A_85 = arith.constant 1024 : i32
      %dma_wait3A_86 = tpu.memref_slice %arg6[%dma_wait3A_85] : memref<10880xi32, #tpu.memory_space<vmem>> -> memref<1024xi32, #tpu.memory_space<vmem>>
      %dma_wait3A_87 = arith.constant 0 : i32
      %dma_wait3A_88 = arith.constant 0 : i32
      %dma_wait3A_89 = tpu.memref_slice %arg2[%dma_wait3A_87, %dma_wait3A_88] : memref<10000x16xf32, #tpu.memory_space<hbm>> -> memref<10000x16xf32, #tpu.memory_space<hbm>>
      tpu.wait_indirect_dma semaphore(%arg11 : memref<!tpu.dma_semaphore, #tpu.memory_space<semaphore_mem>>) src(%dma_wait3A_89 : memref<10000x16xf32, #tpu.memory_space<hbm>>) dst(%arg9 : memref<1024x16xf32, #tpu.memory_space<vmem>>)
      %dma_start3A_90 = arith.constant 1024 : i32
      %dma_start3A_91 = tpu.memref_slice %arg7[%dma_start3A_90] : memref<10880xi32, #tpu.memory_space<vmem>> -> memref<1024xi32, #tpu.memory_space<vmem>>
      %dma_start3A_92 = arith.constant 0 : i32
      %dma_start3A_93 = arith.constant 0 : i32
      %dma_start3A_94 = tpu.memref_slice %arg14[%dma_start3A_92, %dma_start3A_93] : memref<10000x16xf32, #tpu.memory_space<vmem_shared>> -> memref<10000x16xf32, #tpu.memory_space<vmem_shared>>
      tpu.enqueue_indirect_dma source(%arg9 : memref<1024x16xf32, #tpu.memory_space<vmem>>) target(%dma_start3A_94 : memref<10000x16xf32, #tpu.memory_space<vmem_shared>>) offsets(%dma_start3A_91 : memref<1024xi32, #tpu.memory_space<vmem>>) semaphore(%arg13 : memref<!tpu.dma_semaphore, #tpu.memory_space<semaphore_mem>>) {add = true}
      %dma_wait3A_95 = arith.constant 1024 : i32
      %dma_wait3A_96 = tpu.memref_slice %arg7[%dma_wait3A_95] : memref<10880xi32, #tpu.memory_space<vmem>> -> memref<1024xi32, #tpu.memory_space<vmem>>
      %dma_wait3A_97 = arith.constant 0 : i32
      %dma_wait3A_98 = arith.constant 0 : i32
      %dma_wait3A_99 = tpu.memref_slice %arg14[%dma_wait3A_97, %dma_wait3A_98] : memref<10000x16xf32, #tpu.memory_space<vmem_shared>> -> memref<10000x16xf32, #tpu.memory_space<vmem_shared>>
      tpu.wait_indirect_dma semaphore(%arg13 : memref<!tpu.dma_semaphore, #tpu.memory_space<semaphore_mem>>) src(%arg9 : memref<1024x16xf32, #tpu.memory_space<vmem>>) dst(%dma_wait3A_99 : memref<10000x16xf32, #tpu.memory_space<vmem_shared>>)
      %dma_start3A_100 = arith.constant 3072 : i32
      %dma_start3A_101 = tpu.memref_slice %arg6[%dma_start3A_100] : memref<10880xi32, #tpu.memory_space<vmem>> -> memref<1024xi32, #tpu.memory_space<vmem>>
      %dma_start3A_102 = arith.constant 0 : i32
      %dma_start3A_103 = arith.constant 0 : i32
      %dma_start3A_104 = tpu.memref_slice %arg2[%dma_start3A_102, %dma_start3A_103] : memref<10000x16xf32, #tpu.memory_space<hbm>> -> memref<10000x16xf32, #tpu.memory_space<hbm>>
      tpu.enqueue_indirect_dma source(%dma_start3A_104 : memref<10000x16xf32, #tpu.memory_space<hbm>>) target(%arg9 : memref<1024x16xf32, #tpu.memory_space<vmem>>) offsets(%dma_start3A_101 : memref<1024xi32, #tpu.memory_space<vmem>>) semaphore(%arg11 : memref<!tpu.dma_semaphore, #tpu.memory_space<semaphore_mem>>)
      %dma_wait3A_105 = arith.constant 2048 : i32
      %dma_wait3A_106 = tpu.memref_slice %arg6[%dma_wait3A_105] : memref<10880xi32, #tpu.memory_space<vmem>> -> memref<1024xi32, #tpu.memory_space<vmem>>
      %dma_wait3A_107 = arith.constant 0 : i32
      %dma_wait3A_108 = arith.constant 0 : i32
      %dma_wait3A_109 = tpu.memref_slice %arg2[%dma_wait3A_107, %dma_wait3A_108] : memref<10000x16xf32, #tpu.memory_space<hbm>> -> memref<10000x16xf32, #tpu.memory_space<hbm>>
      tpu.wait_indirect_dma semaphore(%arg10 : memref<!tpu.dma_semaphore, #tpu.memory_space<semaphore_mem>>) src(%dma_wait3A_109 : memref<10000x16xf32, #tpu.memory_space<hbm>>) dst(%arg8 : memref<1024x16xf32, #tpu.memory_space<vmem>>)
      %dma_start3A_110 = arith.constant 2048 : i32
      %dma_start3A_111 = tpu.memref_slice %arg7[%dma_start3A_110] : memref<10880xi32, #tpu.memory_space<vmem>> -> memref<1024xi32, #tpu.memory_space<vmem>>
      %dma_start3A_112 = arith.constant 0 : i32
      %dma_start3A_113 = arith.constant 0 : i32
      %dma_start3A_114 = tpu.memref_slice %arg14[%dma_start3A_112, %dma_start3A_113] : memref<10000x16xf32, #tpu.memory_space<vmem_shared>> -> memref<10000x16xf32, #tpu.memory_space<vmem_shared>>
      tpu.enqueue_indirect_dma source(%arg8 : memref<1024x16xf32, #tpu.memory_space<vmem>>) target(%dma_start3A_114 : memref<10000x16xf32, #tpu.memory_space<vmem_shared>>) offsets(%dma_start3A_111 : memref<1024xi32, #tpu.memory_space<vmem>>) semaphore(%arg12 : memref<!tpu.dma_semaphore, #tpu.memory_space<semaphore_mem>>) {add = true}
      %dma_wait3A_115 = arith.constant 2048 : i32
      %dma_wait3A_116 = tpu.memref_slice %arg7[%dma_wait3A_115] : memref<10880xi32, #tpu.memory_space<vmem>> -> memref<1024xi32, #tpu.memory_space<vmem>>
      %dma_wait3A_117 = arith.constant 0 : i32
      %dma_wait3A_118 = arith.constant 0 : i32
      %dma_wait3A_119 = tpu.memref_slice %arg14[%dma_wait3A_117, %dma_wait3A_118] : memref<10000x16xf32, #tpu.memory_space<vmem_shared>> -> memref<10000x16xf32, #tpu.memory_space<vmem_shared>>
      tpu.wait_indirect_dma semaphore(%arg12 : memref<!tpu.dma_semaphore, #tpu.memory_space<semaphore_mem>>) src(%arg8 : memref<1024x16xf32, #tpu.memory_space<vmem>>) dst(%dma_wait3A_119 : memref<10000x16xf32, #tpu.memory_space<vmem_shared>>)
      %dma_start3A_120 = arith.constant 4096 : i32
      %dma_start3A_121 = tpu.memref_slice %arg6[%dma_start3A_120] : memref<10880xi32, #tpu.memory_space<vmem>> -> memref<1024xi32, #tpu.memory_space<vmem>>
      %dma_start3A_122 = arith.constant 0 : i32
      %dma_start3A_123 = arith.constant 0 : i32
      %dma_start3A_124 = tpu.memref_slice %arg2[%dma_start3A_122, %dma_start3A_123] : memref<10000x16xf32, #tpu.memory_space<hbm>> -> memref<10000x16xf32, #tpu.memory_space<hbm>>
      tpu.enqueue_indirect_dma source(%dma_start3A_124 : memref<10000x16xf32, #tpu.memory_space<hbm>>) target(%arg8 : memref<1024x16xf32, #tpu.memory_space<vmem>>) offsets(%dma_start3A_121 : memref<1024xi32, #tpu.memory_space<vmem>>) semaphore(%arg10 : memref<!tpu.dma_semaphore, #tpu.memory_space<semaphore_mem>>)
      %dma_wait3A_125 = arith.constant 3072 : i32
      %dma_wait3A_126 = tpu.memref_slice %arg6[%dma_wait3A_125] : memref<10880xi32, #tpu.memory_space<vmem>> -> memref<1024xi32, #tpu.memory_space<vmem>>
      %dma_wait3A_127 = arith.constant 0 : i32
      %dma_wait3A_128 = arith.constant 0 : i32
      %dma_wait3A_129 = tpu.memref_slice %arg2[%dma_wait3A_127, %dma_wait3A_128] : memref<10000x16xf32, #tpu.memory_space<hbm>> -> memref<10000x16xf32, #tpu.memory_space<hbm>>
      tpu.wait_indirect_dma semaphore(%arg11 : memref<!tpu.dma_semaphore, #tpu.memory_space<semaphore_mem>>) src(%dma_wait3A_129 : memref<10000x16xf32, #tpu.memory_space<hbm>>) dst(%arg9 : memref<1024x16xf32, #tpu.memory_space<vmem>>)
      %dma_start3A_130 = arith.constant 3072 : i32
      %dma_start3A_131 = tpu.memref_slice %arg7[%dma_start3A_130] : memref<10880xi32, #tpu.memory_space<vmem>> -> memref<1024xi32, #tpu.memory_space<vmem>>
      %dma_start3A_132 = arith.constant 0 : i32
      %dma_start3A_133 = arith.constant 0 : i32
      %dma_start3A_134 = tpu.memref_slice %arg14[%dma_start3A_132, %dma_start3A_133] : memref<10000x16xf32, #tpu.memory_space<vmem_shared>> -> memref<10000x16xf32, #tpu.memory_space<vmem_shared>>
      tpu.enqueue_indirect_dma source(%arg9 : memref<1024x16xf32, #tpu.memory_space<vmem>>) target(%dma_start3A_134 : memref<10000x16xf32, #tpu.memory_space<vmem_shared>>) offsets(%dma_start3A_131 : memref<1024xi32, #tpu.memory_space<vmem>>) semaphore(%arg13 : memref<!tpu.dma_semaphore, #tpu.memory_space<semaphore_mem>>) {add = true}
      %dma_wait3A_135 = arith.constant 3072 : i32
      %dma_wait3A_136 = tpu.memref_slice %arg7[%dma_wait3A_135] : memref<10880xi32, #tpu.memory_space<vmem>> -> memref<1024xi32, #tpu.memory_space<vmem>>
      %dma_wait3A_137 = arith.constant 0 : i32
      %dma_wait3A_138 = arith.constant 0 : i32
      %dma_wait3A_139 = tpu.memref_slice %arg14[%dma_wait3A_137, %dma_wait3A_138] : memref<10000x16xf32, #tpu.memory_space<vmem_shared>> -> memref<10000x16xf32, #tpu.memory_space<vmem_shared>>
      tpu.wait_indirect_dma semaphore(%arg13 : memref<!tpu.dma_semaphore, #tpu.memory_space<semaphore_mem>>) src(%arg9 : memref<1024x16xf32, #tpu.memory_space<vmem>>) dst(%dma_wait3A_139 : memref<10000x16xf32, #tpu.memory_space<vmem_shared>>)
      %dma_start3A_140 = arith.constant 5120 : i32
      %dma_start3A_141 = tpu.memref_slice %arg6[%dma_start3A_140] : memref<10880xi32, #tpu.memory_space<vmem>> -> memref<1024xi32, #tpu.memory_space<vmem>>
      %dma_start3A_142 = arith.constant 0 : i32
      %dma_start3A_143 = arith.constant 0 : i32
      %dma_start3A_144 = tpu.memref_slice %arg2[%dma_start3A_142, %dma_start3A_143] : memref<10000x16xf32, #tpu.memory_space<hbm>> -> memref<10000x16xf32, #tpu.memory_space<hbm>>
      tpu.enqueue_indirect_dma source(%dma_start3A_144 : memref<10000x16xf32, #tpu.memory_space<hbm>>) target(%arg9 : memref<1024x16xf32, #tpu.memory_space<vmem>>) offsets(%dma_start3A_141 : memref<1024xi32, #tpu.memory_space<vmem>>) semaphore(%arg11 : memref<!tpu.dma_semaphore, #tpu.memory_space<semaphore_mem>>)
      %dma_wait3A_145 = arith.constant 4096 : i32
      %dma_wait3A_146 = tpu.memref_slice %arg6[%dma_wait3A_145] : memref<10880xi32, #tpu.memory_space<vmem>> -> memref<1024xi32, #tpu.memory_space<vmem>>
      %dma_wait3A_147 = arith.constant 0 : i32
      %dma_wait3A_148 = arith.constant 0 : i32
      %dma_wait3A_149 = tpu.memref_slice %arg2[%dma_wait3A_147, %dma_wait3A_148] : memref<10000x16xf32, #tpu.memory_space<hbm>> -> memref<10000x16xf32, #tpu.memory_space<hbm>>
      tpu.wait_indirect_dma semaphore(%arg10 : memref<!tpu.dma_semaphore, #tpu.memory_space<semaphore_mem>>) src(%dma_wait3A_149 : memref<10000x16xf32, #tpu.memory_space<hbm>>) dst(%arg8 : memref<1024x16xf32, #tpu.memory_space<vmem>>)
      %dma_start3A_150 = arith.constant 4096 : i32
      %dma_start3A_151 = tpu.memref_slice %arg7[%dma_start3A_150] : memref<10880xi32, #tpu.memory_space<vmem>> -> memref<1024xi32, #tpu.memory_space<vmem>>
      %dma_start3A_152 = arith.constant 0 : i32
      %dma_start3A_153 = arith.constant 0 : i32
      %dma_start3A_154 = tpu.memref_slice %arg14[%dma_start3A_152, %dma_start3A_153] : memref<10000x16xf32, #tpu.memory_space<vmem_shared>> -> memref<10000x16xf32, #tpu.memory_space<vmem_shared>>
      tpu.enqueue_indirect_dma source(%arg8 : memref<1024x16xf32, #tpu.memory_space<vmem>>) target(%dma_start3A_154 : memref<10000x16xf32, #tpu.memory_space<vmem_shared>>) offsets(%dma_start3A_151 : memref<1024xi32, #tpu.memory_space<vmem>>) semaphore(%arg12 : memref<!tpu.dma_semaphore, #tpu.memory_space<semaphore_mem>>) {add = true}
      %dma_wait3A_155 = arith.constant 4096 : i32
      %dma_wait3A_156 = tpu.memref_slice %arg7[%dma_wait3A_155] : memref<10880xi32, #tpu.memory_space<vmem>> -> memref<1024xi32, #tpu.memory_space<vmem>>
      %dma_wait3A_157 = arith.constant 0 : i32
      %dma_wait3A_158 = arith.constant 0 : i32
      %dma_wait3A_159 = tpu.memref_slice %arg14[%dma_wait3A_157, %dma_wait3A_158] : memref<10000x16xf32, #tpu.memory_space<vmem_shared>> -> memref<10000x16xf32, #tpu.memory_space<vmem_shared>>
      tpu.wait_indirect_dma semaphore(%arg12 : memref<!tpu.dma_semaphore, #tpu.memory_space<semaphore_mem>>) src(%arg8 : memref<1024x16xf32, #tpu.memory_space<vmem>>) dst(%dma_wait3A_159 : memref<10000x16xf32, #tpu.memory_space<vmem_shared>>)
      %dma_start3A_160 = arith.constant 6144 : i32
      %dma_start3A_161 = tpu.memref_slice %arg6[%dma_start3A_160] : memref<10880xi32, #tpu.memory_space<vmem>> -> memref<1024xi32, #tpu.memory_space<vmem>>
      %dma_start3A_162 = arith.constant 0 : i32
      %dma_start3A_163 = arith.constant 0 : i32
      %dma_start3A_164 = tpu.memref_slice %arg2[%dma_start3A_162, %dma_start3A_163] : memref<10000x16xf32, #tpu.memory_space<hbm>> -> memref<10000x16xf32, #tpu.memory_space<hbm>>
      tpu.enqueue_indirect_dma source(%dma_start3A_164 : memref<10000x16xf32, #tpu.memory_space<hbm>>) target(%arg8 : memref<1024x16xf32, #tpu.memory_space<vmem>>) offsets(%dma_start3A_161 : memref<1024xi32, #tpu.memory_space<vmem>>) semaphore(%arg10 : memref<!tpu.dma_semaphore, #tpu.memory_space<semaphore_mem>>)
      %dma_wait3A_165 = arith.constant 5120 : i32
      %dma_wait3A_166 = tpu.memref_slice %arg6[%dma_wait3A_165] : memref<10880xi32, #tpu.memory_space<vmem>> -> memref<1024xi32, #tpu.memory_space<vmem>>
      %dma_wait3A_167 = arith.constant 0 : i32
      %dma_wait3A_168 = arith.constant 0 : i32
      %dma_wait3A_169 = tpu.memref_slice %arg2[%dma_wait3A_167, %dma_wait3A_168] : memref<10000x16xf32, #tpu.memory_space<hbm>> -> memref<10000x16xf32, #tpu.memory_space<hbm>>
      tpu.wait_indirect_dma semaphore(%arg11 : memref<!tpu.dma_semaphore, #tpu.memory_space<semaphore_mem>>) src(%dma_wait3A_169 : memref<10000x16xf32, #tpu.memory_space<hbm>>) dst(%arg9 : memref<1024x16xf32, #tpu.memory_space<vmem>>)
      %dma_start3A_170 = arith.constant 5120 : i32
      %dma_start3A_171 = tpu.memref_slice %arg7[%dma_start3A_170] : memref<10880xi32, #tpu.memory_space<vmem>> -> memref<1024xi32, #tpu.memory_space<vmem>>
      %dma_start3A_172 = arith.constant 0 : i32
      %dma_start3A_173 = arith.constant 0 : i32
      %dma_start3A_174 = tpu.memref_slice %arg14[%dma_start3A_172, %dma_start3A_173] : memref<10000x16xf32, #tpu.memory_space<vmem_shared>> -> memref<10000x16xf32, #tpu.memory_space<vmem_shared>>
      tpu.enqueue_indirect_dma source(%arg9 : memref<1024x16xf32, #tpu.memory_space<vmem>>) target(%dma_start3A_174 : memref<10000x16xf32, #tpu.memory_space<vmem_shared>>) offsets(%dma_start3A_171 : memref<1024xi32, #tpu.memory_space<vmem>>) semaphore(%arg13 : memref<!tpu.dma_semaphore, #tpu.memory_space<semaphore_mem>>) {add = true}
      %dma_wait3A_175 = arith.constant 5120 : i32
      %dma_wait3A_176 = tpu.memref_slice %arg7[%dma_wait3A_175] : memref<10880xi32, #tpu.memory_space<vmem>> -> memref<1024xi32, #tpu.memory_space<vmem>>
      %dma_wait3A_177 = arith.constant 0 : i32
      %dma_wait3A_178 = arith.constant 0 : i32
      %dma_wait3A_179 = tpu.memref_slice %arg14[%dma_wait3A_177, %dma_wait3A_178] : memref<10000x16xf32, #tpu.memory_space<vmem_shared>> -> memref<10000x16xf32, #tpu.memory_space<vmem_shared>>
      tpu.wait_indirect_dma semaphore(%arg13 : memref<!tpu.dma_semaphore, #tpu.memory_space<semaphore_mem>>) src(%arg9 : memref<1024x16xf32, #tpu.memory_space<vmem>>) dst(%dma_wait3A_179 : memref<10000x16xf32, #tpu.memory_space<vmem_shared>>)
      %dma_start3A_180 = arith.constant 7168 : i32
      %dma_start3A_181 = tpu.memref_slice %arg6[%dma_start3A_180] : memref<10880xi32, #tpu.memory_space<vmem>> -> memref<1024xi32, #tpu.memory_space<vmem>>
      %dma_start3A_182 = arith.constant 0 : i32
      %dma_start3A_183 = arith.constant 0 : i32
      %dma_start3A_184 = tpu.memref_slice %arg2[%dma_start3A_182, %dma_start3A_183] : memref<10000x16xf32, #tpu.memory_space<hbm>> -> memref<10000x16xf32, #tpu.memory_space<hbm>>
      tpu.enqueue_indirect_dma source(%dma_start3A_184 : memref<10000x16xf32, #tpu.memory_space<hbm>>) target(%arg9 : memref<1024x16xf32, #tpu.memory_space<vmem>>) offsets(%dma_start3A_181 : memref<1024xi32, #tpu.memory_space<vmem>>) semaphore(%arg11 : memref<!tpu.dma_semaphore, #tpu.memory_space<semaphore_mem>>)
      %dma_wait3A_185 = arith.constant 6144 : i32
      %dma_wait3A_186 = tpu.memref_slice %arg6[%dma_wait3A_185] : memref<10880xi32, #tpu.memory_space<vmem>> -> memref<1024xi32, #tpu.memory_space<vmem>>
      %dma_wait3A_187 = arith.constant 0 : i32
      %dma_wait3A_188 = arith.constant 0 : i32
      %dma_wait3A_189 = tpu.memref_slice %arg2[%dma_wait3A_187, %dma_wait3A_188] : memref<10000x16xf32, #tpu.memory_space<hbm>> -> memref<10000x16xf32, #tpu.memory_space<hbm>>
      tpu.wait_indirect_dma semaphore(%arg10 : memref<!tpu.dma_semaphore, #tpu.memory_space<semaphore_mem>>) src(%dma_wait3A_189 : memref<10000x16xf32, #tpu.memory_space<hbm>>) dst(%arg8 : memref<1024x16xf32, #tpu.memory_space<vmem>>)
      %dma_start3A_190 = arith.constant 6144 : i32
      %dma_start3A_191 = tpu.memref_slice %arg7[%dma_start3A_190] : memref<10880xi32, #tpu.memory_space<vmem>> -> memref<1024xi32, #tpu.memory_space<vmem>>
      %dma_start3A_192 = arith.constant 0 : i32
      %dma_start3A_193 = arith.constant 0 : i32
      %dma_start3A_194 = tpu.memref_slice %arg14[%dma_start3A_192, %dma_start3A_193] : memref<10000x16xf32, #tpu.memory_space<vmem_shared>> -> memref<10000x16xf32, #tpu.memory_space<vmem_shared>>
      tpu.enqueue_indirect_dma source(%arg8 : memref<1024x16xf32, #tpu.memory_space<vmem>>) target(%dma_start3A_194 : memref<10000x16xf32, #tpu.memory_space<vmem_shared>>) offsets(%dma_start3A_191 : memref<1024xi32, #tpu.memory_space<vmem>>) semaphore(%arg12 : memref<!tpu.dma_semaphore, #tpu.memory_space<semaphore_mem>>) {add = true}
      %dma_wait3A_195 = arith.constant 6144 : i32
      %dma_wait3A_196 = tpu.memref_slice %arg7[%dma_wait3A_195] : memref<10880xi32, #tpu.memory_space<vmem>> -> memref<1024xi32, #tpu.memory_space<vmem>>
      %dma_wait3A_197 = arith.constant 0 : i32
      %dma_wait3A_198 = arith.constant 0 : i32
      %dma_wait3A_199 = tpu.memref_slice %arg14[%dma_wait3A_197, %dma_wait3A_198] : memref<10000x16xf32, #tpu.memory_space<vmem_shared>> -> memref<10000x16xf32, #tpu.memory_space<vmem_shared>>
      tpu.wait_indirect_dma semaphore(%arg12 : memref<!tpu.dma_semaphore, #tpu.memory_space<semaphore_mem>>) src(%arg8 : memref<1024x16xf32, #tpu.memory_space<vmem>>) dst(%dma_wait3A_199 : memref<10000x16xf32, #tpu.memory_space<vmem_shared>>)
      %dma_start3A_200 = arith.constant 8192 : i32
      %dma_start3A_201 = tpu.memref_slice %arg6[%dma_start3A_200] : memref<10880xi32, #tpu.memory_space<vmem>> -> memref<1024xi32, #tpu.memory_space<vmem>>
      %dma_start3A_202 = arith.constant 0 : i32
      %dma_start3A_203 = arith.constant 0 : i32
      %dma_start3A_204 = tpu.memref_slice %arg2[%dma_start3A_202, %dma_start3A_203] : memref<10000x16xf32, #tpu.memory_space<hbm>> -> memref<10000x16xf32, #tpu.memory_space<hbm>>
      tpu.enqueue_indirect_dma source(%dma_start3A_204 : memref<10000x16xf32, #tpu.memory_space<hbm>>) target(%arg8 : memref<1024x16xf32, #tpu.memory_space<vmem>>) offsets(%dma_start3A_201 : memref<1024xi32, #tpu.memory_space<vmem>>) semaphore(%arg10 : memref<!tpu.dma_semaphore, #tpu.memory_space<semaphore_mem>>)
      %dma_wait3A_205 = arith.constant 7168 : i32
      %dma_wait3A_206 = tpu.memref_slice %arg6[%dma_wait3A_205] : memref<10880xi32, #tpu.memory_space<vmem>> -> memref<1024xi32, #tpu.memory_space<vmem>>
      %dma_wait3A_207 = arith.constant 0 : i32
      %dma_wait3A_208 = arith.constant 0 : i32
      %dma_wait3A_209 = tpu.memref_slice %arg2[%dma_wait3A_207, %dma_wait3A_208] : memref<10000x16xf32, #tpu.memory_space<hbm>> -> memref<10000x16xf32, #tpu.memory_space<hbm>>
      tpu.wait_indirect_dma semaphore(%arg11 : memref<!tpu.dma_semaphore, #tpu.memory_space<semaphore_mem>>) src(%dma_wait3A_209 : memref<10000x16xf32, #tpu.memory_space<hbm>>) dst(%arg9 : memref<1024x16xf32, #tpu.memory_space<vmem>>)
      %dma_start3A_210 = arith.constant 7168 : i32
      %dma_start3A_211 = tpu.memref_slice %arg7[%dma_start3A_210] : memref<10880xi32, #tpu.memory_space<vmem>> -> memref<1024xi32, #tpu.memory_space<vmem>>
      %dma_start3A_212 = arith.constant 0 : i32
      %dma_start3A_213 = arith.constant 0 : i32
      %dma_start3A_214 = tpu.memref_slice %arg14[%dma_start3A_212, %dma_start3A_213] : memref<10000x16xf32, #tpu.memory_space<vmem_shared>> -> memref<10000x16xf32, #tpu.memory_space<vmem_shared>>
      tpu.enqueue_indirect_dma source(%arg9 : memref<1024x16xf32, #tpu.memory_space<vmem>>) target(%dma_start3A_214 : memref<10000x16xf32, #tpu.memory_space<vmem_shared>>) offsets(%dma_start3A_211 : memref<1024xi32, #tpu.memory_space<vmem>>) semaphore(%arg13 : memref<!tpu.dma_semaphore, #tpu.memory_space<semaphore_mem>>) {add = true}
      %dma_wait3A_215 = arith.constant 7168 : i32
      %dma_wait3A_216 = tpu.memref_slice %arg7[%dma_wait3A_215] : memref<10880xi32, #tpu.memory_space<vmem>> -> memref<1024xi32, #tpu.memory_space<vmem>>
      %dma_wait3A_217 = arith.constant 0 : i32
      %dma_wait3A_218 = arith.constant 0 : i32
      %dma_wait3A_219 = tpu.memref_slice %arg14[%dma_wait3A_217, %dma_wait3A_218] : memref<10000x16xf32, #tpu.memory_space<vmem_shared>> -> memref<10000x16xf32, #tpu.memory_space<vmem_shared>>
      tpu.wait_indirect_dma semaphore(%arg13 : memref<!tpu.dma_semaphore, #tpu.memory_space<semaphore_mem>>) src(%arg9 : memref<1024x16xf32, #tpu.memory_space<vmem>>) dst(%dma_wait3A_219 : memref<10000x16xf32, #tpu.memory_space<vmem_shared>>)
      %dma_start3A_220 = arith.constant 9216 : i32
      %dma_start3A_221 = tpu.memref_slice %arg6[%dma_start3A_220] : memref<10880xi32, #tpu.memory_space<vmem>> -> memref<1024xi32, #tpu.memory_space<vmem>>
      %dma_start3A_222 = arith.constant 0 : i32
      %dma_start3A_223 = arith.constant 0 : i32
      %dma_start3A_224 = tpu.memref_slice %arg2[%dma_start3A_222, %dma_start3A_223] : memref<10000x16xf32, #tpu.memory_space<hbm>> -> memref<10000x16xf32, #tpu.memory_space<hbm>>
      tpu.enqueue_indirect_dma source(%dma_start3A_224 : memref<10000x16xf32, #tpu.memory_space<hbm>>) target(%arg9 : memref<1024x16xf32, #tpu.memory_space<vmem>>) offsets(%dma_start3A_221 : memref<1024xi32, #tpu.memory_space<vmem>>) semaphore(%arg11 : memref<!tpu.dma_semaphore, #tpu.memory_space<semaphore_mem>>)
      %dma_wait3A_225 = arith.constant 8192 : i32
      %dma_wait3A_226 = tpu.memref_slice %arg6[%dma_wait3A_225] : memref<10880xi32, #tpu.memory_space<vmem>> -> memref<1024xi32, #tpu.memory_space<vmem>>
      %dma_wait3A_227 = arith.constant 0 : i32
      %dma_wait3A_228 = arith.constant 0 : i32
      %dma_wait3A_229 = tpu.memref_slice %arg2[%dma_wait3A_227, %dma_wait3A_228] : memref<10000x16xf32, #tpu.memory_space<hbm>> -> memref<10000x16xf32, #tpu.memory_space<hbm>>
      tpu.wait_indirect_dma semaphore(%arg10 : memref<!tpu.dma_semaphore, #tpu.memory_space<semaphore_mem>>) src(%dma_wait3A_229 : memref<10000x16xf32, #tpu.memory_space<hbm>>) dst(%arg8 : memref<1024x16xf32, #tpu.memory_space<vmem>>)
      %dma_start3A_230 = arith.constant 8192 : i32
      %dma_start3A_231 = tpu.memref_slice %arg7[%dma_start3A_230] : memref<10880xi32, #tpu.memory_space<vmem>> -> memref<1024xi32, #tpu.memory_space<vmem>>
      %dma_start3A_232 = arith.constant 0 : i32
      %dma_start3A_233 = arith.constant 0 : i32
      %dma_start3A_234 = tpu.memref_slice %arg14[%dma_start3A_232, %dma_start3A_233] : memref<10000x16xf32, #tpu.memory_space<vmem_shared>> -> memref<10000x16xf32, #tpu.memory_space<vmem_shared>>
      tpu.enqueue_indirect_dma source(%arg8 : memref<1024x16xf32, #tpu.memory_space<vmem>>) target(%dma_start3A_234 : memref<10000x16xf32, #tpu.memory_space<vmem_shared>>) offsets(%dma_start3A_231 : memref<1024xi32, #tpu.memory_space<vmem>>) semaphore(%arg12 : memref<!tpu.dma_semaphore, #tpu.memory_space<semaphore_mem>>) {add = true}
      %dma_wait3A_235 = arith.constant 9216 : i32
      %dma_wait3A_236 = tpu.memref_slice %arg6[%dma_wait3A_235] : memref<10880xi32, #tpu.memory_space<vmem>> -> memref<1024xi32, #tpu.memory_space<vmem>>
      %dma_wait3A_237 = arith.constant 0 : i32
      %dma_wait3A_238 = arith.constant 0 : i32
      %dma_wait3A_239 = tpu.memref_slice %arg2[%dma_wait3A_237, %dma_wait3A_238] : memref<10000x16xf32, #tpu.memory_space<hbm>> -> memref<10000x16xf32, #tpu.memory_space<hbm>>
      tpu.wait_indirect_dma semaphore(%arg11 : memref<!tpu.dma_semaphore, #tpu.memory_space<semaphore_mem>>) src(%dma_wait3A_239 : memref<10000x16xf32, #tpu.memory_space<hbm>>) dst(%arg9 : memref<1024x16xf32, #tpu.memory_space<vmem>>)
      %dma_start3A_240 = arith.constant 9216 : i32
      %dma_start3A_241 = tpu.memref_slice %arg7[%dma_start3A_240] : memref<10880xi32, #tpu.memory_space<vmem>> -> memref<1024xi32, #tpu.memory_space<vmem>>
      %dma_start3A_242 = arith.constant 0 : i32
      %dma_start3A_243 = arith.constant 0 : i32
      %dma_start3A_244 = tpu.memref_slice %arg14[%dma_start3A_242, %dma_start3A_243] : memref<10000x16xf32, #tpu.memory_space<vmem_shared>> -> memref<10000x16xf32, #tpu.memory_space<vmem_shared>>
      tpu.enqueue_indirect_dma source(%arg9 : memref<1024x16xf32, #tpu.memory_space<vmem>>) target(%dma_start3A_244 : memref<10000x16xf32, #tpu.memory_space<vmem_shared>>) offsets(%dma_start3A_241 : memref<1024xi32, #tpu.memory_space<vmem>>) semaphore(%arg13 : memref<!tpu.dma_semaphore, #tpu.memory_space<semaphore_mem>>) {add = true}
      %dma_wait3A_245 = arith.constant 8192 : i32
      %dma_wait3A_246 = tpu.memref_slice %arg7[%dma_wait3A_245] : memref<10880xi32, #tpu.memory_space<vmem>> -> memref<1024xi32, #tpu.memory_space<vmem>>
      %dma_wait3A_247 = arith.constant 0 : i32
      %dma_wait3A_248 = arith.constant 0 : i32
      %dma_wait3A_249 = tpu.memref_slice %arg14[%dma_wait3A_247, %dma_wait3A_248] : memref<10000x16xf32, #tpu.memory_space<vmem_shared>> -> memref<10000x16xf32, #tpu.memory_space<vmem_shared>>
      tpu.wait_indirect_dma semaphore(%arg12 : memref<!tpu.dma_semaphore, #tpu.memory_space<semaphore_mem>>) src(%arg8 : memref<1024x16xf32, #tpu.memory_space<vmem>>) dst(%dma_wait3A_249 : memref<10000x16xf32, #tpu.memory_space<vmem_shared>>)
      %dma_wait3A_250 = arith.constant 9216 : i32
      %dma_wait3A_251 = tpu.memref_slice %arg7[%dma_wait3A_250] : memref<10880xi32, #tpu.memory_space<vmem>> -> memref<1024xi32, #tpu.memory_space<vmem>>
      %dma_wait3A_252 = arith.constant 0 : i32
      %dma_wait3A_253 = arith.constant 0 : i32
      %dma_wait3A_254 = tpu.memref_slice %arg14[%dma_wait3A_252, %dma_wait3A_253] : memref<10000x16xf32, #tpu.memory_space<vmem_shared>> -> memref<10000x16xf32, #tpu.memory_space<vmem_shared>>
      tpu.wait_indirect_dma semaphore(%arg13 : memref<!tpu.dma_semaphore, #tpu.memory_space<semaphore_mem>>) src(%arg9 : memref<1024x16xf32, #tpu.memory_space<vmem>>) dst(%dma_wait3A_254 : memref<10000x16xf32, #tpu.memory_space<vmem_shared>>)
      "tpu.region"() ({
        %run_scoped3A = tpu.sem_alloc : memref<!tpu.dma_semaphore, #tpu.memory_space<semaphore_mem>>
        %dma_start3A_255 = arith.constant 0 : i32
        %dma_start3A_256 = arith.constant 0 : i32
        %dma_start3A_257 = tpu.memref_slice %arg8[%dma_start3A_255, %dma_start3A_256] : memref<1024x16xf32, #tpu.memory_space<vmem>> -> memref<512x16xf32, #tpu.memory_space<vmem>>
        %dma_start3A_258 = arith.constant 10240 : i32
        %dma_start3A_259 = tpu.memref_slice %arg6[%dma_start3A_258] : memref<10880xi32, #tpu.memory_space<vmem>> -> memref<512xi32, #tpu.memory_space<vmem>>
        %dma_start3A_260 = arith.constant 0 : i32
        %dma_start3A_261 = arith.constant 0 : i32
        %dma_start3A_262 = tpu.memref_slice %arg2[%dma_start3A_260, %dma_start3A_261] : memref<10000x16xf32, #tpu.memory_space<hbm>> -> memref<10000x16xf32, #tpu.memory_space<hbm>>
        tpu.enqueue_indirect_dma source(%dma_start3A_262 : memref<10000x16xf32, #tpu.memory_space<hbm>>) target(%dma_start3A_257 : memref<512x16xf32, #tpu.memory_space<vmem>>) offsets(%dma_start3A_259 : memref<512xi32, #tpu.memory_space<vmem>>) semaphore(%run_scoped3A : memref<!tpu.dma_semaphore, #tpu.memory_space<semaphore_mem>>)
        %dma_wait3A_263 = arith.constant 0 : i32
        %dma_wait3A_264 = arith.constant 0 : i32
        %dma_wait3A_265 = tpu.memref_slice %arg8[%dma_wait3A_263, %dma_wait3A_264] : memref<1024x16xf32, #tpu.memory_space<vmem>> -> memref<512x16xf32, #tpu.memory_space<vmem>>
        %dma_wait3A_266 = arith.constant 10240 : i32
        %dma_wait3A_267 = tpu.memref_slice %arg6[%dma_wait3A_266] : memref<10880xi32, #tpu.memory_space<vmem>> -> memref<512xi32, #tpu.memory_space<vmem>>
        %dma_wait3A_268 = arith.constant 0 : i32
        %dma_wait3A_269 = arith.constant 0 : i32
        %dma_wait3A_270 = tpu.memref_slice %arg2[%dma_wait3A_268, %dma_wait3A_269] : memref<10000x16xf32, #tpu.memory_space<hbm>> -> memref<10000x16xf32, #tpu.memory_space<hbm>>
        tpu.wait_indirect_dma semaphore(%run_scoped3A : memref<!tpu.dma_semaphore, #tpu.memory_space<semaphore_mem>>) src(%dma_wait3A_270 : memref<10000x16xf32, #tpu.memory_space<hbm>>) dst(%dma_wait3A_265 : memref<512x16xf32, #tpu.memory_space<vmem>>)
        tpu.yield
      }) : () -> ()
      "tpu.region"() ({
        %run_scoped3A = tpu.sem_alloc : memref<!tpu.dma_semaphore, #tpu.memory_space<semaphore_mem>>
        %dma_start3A_255 = arith.constant 0 : i32
        %dma_start3A_256 = arith.constant 0 : i32
        %dma_start3A_257 = tpu.memref_slice %arg8[%dma_start3A_255, %dma_start3A_256] : memref<1024x16xf32, #tpu.memory_space<vmem>> -> memref<512x16xf32, #tpu.memory_space<vmem>>
        %dma_start3A_258 = arith.constant 10240 : i32
        %dma_start3A_259 = tpu.memref_slice %arg7[%dma_start3A_258] : memref<10880xi32, #tpu.memory_space<vmem>> -> memref<512xi32, #tpu.memory_space<vmem>>
        %dma_start3A_260 = arith.constant 0 : i32
        %dma_start3A_261 = arith.constant 0 : i32
        %dma_start3A_262 = tpu.memref_slice %arg14[%dma_start3A_260, %dma_start3A_261] : memref<10000x16xf32, #tpu.memory_space<vmem_shared>> -> memref<10000x16xf32, #tpu.memory_space<vmem_shared>>
        tpu.enqueue_indirect_dma source(%dma_start3A_257 : memref<512x16xf32, #tpu.memory_space<vmem>>) target(%dma_start3A_262 : memref<10000x16xf32, #tpu.memory_space<vmem_shared>>) offsets(%dma_start3A_259 : memref<512xi32, #tpu.memory_space<vmem>>) semaphore(%run_scoped3A : memref<!tpu.dma_semaphore, #tpu.memory_space<semaphore_mem>>) {add = true}
        %dma_wait3A_263 = arith.constant 0 : i32
        %dma_wait3A_264 = arith.constant 0 : i32
        %dma_wait3A_265 = tpu.memref_slice %arg8[%dma_wait3A_263, %dma_wait3A_264] : memref<1024x16xf32, #tpu.memory_space<vmem>> -> memref<512x16xf32, #tpu.memory_space<vmem>>
        %dma_wait3A_266 = arith.constant 10240 : i32
        %dma_wait3A_267 = tpu.memref_slice %arg7[%dma_wait3A_266] : memref<10880xi32, #tpu.memory_space<vmem>> -> memref<512xi32, #tpu.memory_space<vmem>>
        %dma_wait3A_268 = arith.constant 0 : i32
        %dma_wait3A_269 = arith.constant 0 : i32
        %dma_wait3A_270 = tpu.memref_slice %arg14[%dma_wait3A_268, %dma_wait3A_269] : memref<10000x16xf32, #tpu.memory_space<vmem_shared>> -> memref<10000x16xf32, #tpu.memory_space<vmem_shared>>
        tpu.wait_indirect_dma semaphore(%run_scoped3A : memref<!tpu.dma_semaphore, #tpu.memory_space<semaphore_mem>>) src(%dma_wait3A_265 : memref<512x16xf32, #tpu.memory_space<vmem>>) dst(%dma_wait3A_270 : memref<10000x16xf32, #tpu.memory_space<vmem_shared>>)
        tpu.yield
      }) : () -> ()
    } else {
    }
    %eq3A_39 = arith.constant 1 : i32
    %eq3A_40 = arith.cmpi eq, %arg0, %eq3A_39 : i32
    %convert_element_type3A_41 = arith.extui %eq3A_40 : i1 to i32
    %cond3A_42 = arith.constant 0 : i32
    %cond3A_43 = arith.cmpi ne, %convert_element_type3A_41, %cond3A_42 : i32
    scf.if %cond3A_43 {
      %dma_start3A = arith.constant 0 : i32
      %dma_start3A_57 = tpu.memref_slice %arg6[%dma_start3A] : memref<10880xi32, #tpu.memory_space<vmem>> -> memref<1024xi32, #tpu.memory_space<vmem>>
      %dma_start3A_58 = arith.constant 0 : i32
      %dma_start3A_59 = arith.constant 0 : i32
      %dma_start3A_60 = tpu.memref_slice %arg2[%dma_start3A_58, %dma_start3A_59] : memref<10000x16xf32, #tpu.memory_space<hbm>> -> memref<10000x16xf32, #tpu.memory_space<hbm>>
      tpu.enqueue_indirect_dma source(%dma_start3A_60 : memref<10000x16xf32, #tpu.memory_space<hbm>>) target(%arg8 : memref<1024x16xf32, #tpu.memory_space<vmem>>) offsets(%dma_start3A_57 : memref<1024xi32, #tpu.memory_space<vmem>>) semaphore(%arg10 : memref<!tpu.dma_semaphore, #tpu.memory_space<semaphore_mem>>)
      %dma_start3A_61 = arith.constant 1024 : i32
      %dma_start3A_62 = tpu.memref_slice %arg6[%dma_start3A_61] : memref<10880xi32, #tpu.memory_space<vmem>> -> memref<1024xi32, #tpu.memory_space<vmem>>
      %dma_start3A_63 = arith.constant 0 : i32
      %dma_start3A_64 = arith.constant 0 : i32
      %dma_start3A_65 = tpu.memref_slice %arg2[%dma_start3A_63, %dma_start3A_64] : memref<10000x16xf32, #tpu.memory_space<hbm>> -> memref<10000x16xf32, #tpu.memory_space<hbm>>
      tpu.enqueue_indirect_dma source(%dma_start3A_65 : memref<10000x16xf32, #tpu.memory_space<hbm>>) target(%arg9 : memref<1024x16xf32, #tpu.memory_space<vmem>>) offsets(%dma_start3A_62 : memref<1024xi32, #tpu.memory_space<vmem>>) semaphore(%arg11 : memref<!tpu.dma_semaphore, #tpu.memory_space<semaphore_mem>>)
      %dma_wait3A = arith.constant 0 : i32
      %dma_wait3A_66 = tpu.memref_slice %arg6[%dma_wait3A] : memref<10880xi32, #tpu.memory_space<vmem>> -> memref<1024xi32, #tpu.memory_space<vmem>>
      %dma_wait3A_67 = arith.constant 0 : i32
      %dma_wait3A_68 = arith.constant 0 : i32
      %dma_wait3A_69 = tpu.memref_slice %arg2[%dma_wait3A_67, %dma_wait3A_68] : memref<10000x16xf32, #tpu.memory_space<hbm>> -> memref<10000x16xf32, #tpu.memory_space<hbm>>
      tpu.wait_indirect_dma semaphore(%arg10 : memref<!tpu.dma_semaphore, #tpu.memory_space<semaphore_mem>>) src(%dma_wait3A_69 : memref<10000x16xf32, #tpu.memory_space<hbm>>) dst(%arg8 : memref<1024x16xf32, #tpu.memory_space<vmem>>)
      %dma_start3A_70 = arith.constant 0 : i32
      %dma_start3A_71 = tpu.memref_slice %arg7[%dma_start3A_70] : memref<10880xi32, #tpu.memory_space<vmem>> -> memref<1024xi32, #tpu.memory_space<vmem>>
      %dma_start3A_72 = arith.constant 0 : i32
      %dma_start3A_73 = arith.constant 0 : i32
      %dma_start3A_74 = tpu.memref_slice %arg14[%dma_start3A_72, %dma_start3A_73] : memref<10000x16xf32, #tpu.memory_space<vmem_shared>> -> memref<10000x16xf32, #tpu.memory_space<vmem_shared>>
      tpu.enqueue_indirect_dma source(%arg8 : memref<1024x16xf32, #tpu.memory_space<vmem>>) target(%dma_start3A_74 : memref<10000x16xf32, #tpu.memory_space<vmem_shared>>) offsets(%dma_start3A_71 : memref<1024xi32, #tpu.memory_space<vmem>>) semaphore(%arg12 : memref<!tpu.dma_semaphore, #tpu.memory_space<semaphore_mem>>) {add = true}
      %dma_wait3A_75 = arith.constant 0 : i32
      %dma_wait3A_76 = tpu.memref_slice %arg7[%dma_wait3A_75] : memref<10880xi32, #tpu.memory_space<vmem>> -> memref<1024xi32, #tpu.memory_space<vmem>>
      %dma_wait3A_77 = arith.constant 0 : i32
      %dma_wait3A_78 = arith.constant 0 : i32
      %dma_wait3A_79 = tpu.memref_slice %arg14[%dma_wait3A_77, %dma_wait3A_78] : memref<10000x16xf32, #tpu.memory_space<vmem_shared>> -> memref<10000x16xf32, #tpu.memory_space<vmem_shared>>
      tpu.wait_indirect_dma semaphore(%arg12 : memref<!tpu.dma_semaphore, #tpu.memory_space<semaphore_mem>>) src(%arg8 : memref<1024x16xf32, #tpu.memory_space<vmem>>) dst(%dma_wait3A_79 : memref<10000x16xf32, #tpu.memory_space<vmem_shared>>)
      %dma_start3A_80 = arith.constant 2048 : i32
      %dma_start3A_81 = tpu.memref_slice %arg6[%dma_start3A_80] : memref<10880xi32, #tpu.memory_space<vmem>> -> memref<1024xi32, #tpu.memory_space<vmem>>
      %dma_start3A_82 = arith.constant 0 : i32
      %dma_start3A_83 = arith.constant 0 : i32
      %dma_start3A_84 = tpu.memref_slice %arg2[%dma_start3A_82, %dma_start3A_83] : memref<10000x16xf32, #tpu.memory_space<hbm>> -> memref<10000x16xf32, #tpu.memory_space<hbm>>
      tpu.enqueue_indirect_dma source(%dma_start3A_84 : memref<10000x16xf32, #tpu.memory_space<hbm>>) target(%arg8 : memref<1024x16xf32, #tpu.memory_space<vmem>>) offsets(%dma_start3A_81 : memref<1024xi32, #tpu.memory_space<vmem>>) semaphore(%arg10 : memref<!tpu.dma_semaphore, #tpu.memory_space<semaphore_mem>>)
      %dma_wait3A_85 = arith.constant 1024 : i32
      %dma_wait3A_86 = tpu.memref_slice %arg6[%dma_wait3A_85] : memref<10880xi32, #tpu.memory_space<vmem>> -> memref<1024xi32, #tpu.memory_space<vmem>>
      %dma_wait3A_87 = arith.constant 0 : i32
      %dma_wait3A_88 = arith.constant 0 : i32
      %dma_wait3A_89 = tpu.memref_slice %arg2[%dma_wait3A_87, %dma_wait3A_88] : memref<10000x16xf32, #tpu.memory_space<hbm>> -> memref<10000x16xf32, #tpu.memory_space<hbm>>
      tpu.wait_indirect_dma semaphore(%arg11 : memref<!tpu.dma_semaphore, #tpu.memory_space<semaphore_mem>>) src(%dma_wait3A_89 : memref<10000x16xf32, #tpu.memory_space<hbm>>) dst(%arg9 : memref<1024x16xf32, #tpu.memory_space<vmem>>)
      %dma_start3A_90 = arith.constant 1024 : i32
      %dma_start3A_91 = tpu.memref_slice %arg7[%dma_start3A_90] : memref<10880xi32, #tpu.memory_space<vmem>> -> memref<1024xi32, #tpu.memory_space<vmem>>
      %dma_start3A_92 = arith.constant 0 : i32
      %dma_start3A_93 = arith.constant 0 : i32
      %dma_start3A_94 = tpu.memref_slice %arg14[%dma_start3A_92, %dma_start3A_93] : memref<10000x16xf32, #tpu.memory_space<vmem_shared>> -> memref<10000x16xf32, #tpu.memory_space<vmem_shared>>
      tpu.enqueue_indirect_dma source(%arg9 : memref<1024x16xf32, #tpu.memory_space<vmem>>) target(%dma_start3A_94 : memref<10000x16xf32, #tpu.memory_space<vmem_shared>>) offsets(%dma_start3A_91 : memref<1024xi32, #tpu.memory_space<vmem>>) semaphore(%arg13 : memref<!tpu.dma_semaphore, #tpu.memory_space<semaphore_mem>>) {add = true}
      %dma_wait3A_95 = arith.constant 1024 : i32
      %dma_wait3A_96 = tpu.memref_slice %arg7[%dma_wait3A_95] : memref<10880xi32, #tpu.memory_space<vmem>> -> memref<1024xi32, #tpu.memory_space<vmem>>
      %dma_wait3A_97 = arith.constant 0 : i32
      %dma_wait3A_98 = arith.constant 0 : i32
      %dma_wait3A_99 = tpu.memref_slice %arg14[%dma_wait3A_97, %dma_wait3A_98] : memref<10000x16xf32, #tpu.memory_space<vmem_shared>> -> memref<10000x16xf32, #tpu.memory_space<vmem_shared>>
      tpu.wait_indirect_dma semaphore(%arg13 : memref<!tpu.dma_semaphore, #tpu.memory_space<semaphore_mem>>) src(%arg9 : memref<1024x16xf32, #tpu.memory_space<vmem>>) dst(%dma_wait3A_99 : memref<10000x16xf32, #tpu.memory_space<vmem_shared>>)
      %dma_start3A_100 = arith.constant 3072 : i32
      %dma_start3A_101 = tpu.memref_slice %arg6[%dma_start3A_100] : memref<10880xi32, #tpu.memory_space<vmem>> -> memref<1024xi32, #tpu.memory_space<vmem>>
      %dma_start3A_102 = arith.constant 0 : i32
      %dma_start3A_103 = arith.constant 0 : i32
      %dma_start3A_104 = tpu.memref_slice %arg2[%dma_start3A_102, %dma_start3A_103] : memref<10000x16xf32, #tpu.memory_space<hbm>> -> memref<10000x16xf32, #tpu.memory_space<hbm>>
      tpu.enqueue_indirect_dma source(%dma_start3A_104 : memref<10000x16xf32, #tpu.memory_space<hbm>>) target(%arg9 : memref<1024x16xf32, #tpu.memory_space<vmem>>) offsets(%dma_start3A_101 : memref<1024xi32, #tpu.memory_space<vmem>>) semaphore(%arg11 : memref<!tpu.dma_semaphore, #tpu.memory_space<semaphore_mem>>)
      %dma_wait3A_105 = arith.constant 2048 : i32
      %dma_wait3A_106 = tpu.memref_slice %arg6[%dma_wait3A_105] : memref<10880xi32, #tpu.memory_space<vmem>> -> memref<1024xi32, #tpu.memory_space<vmem>>
      %dma_wait3A_107 = arith.constant 0 : i32
      %dma_wait3A_108 = arith.constant 0 : i32
      %dma_wait3A_109 = tpu.memref_slice %arg2[%dma_wait3A_107, %dma_wait3A_108] : memref<10000x16xf32, #tpu.memory_space<hbm>> -> memref<10000x16xf32, #tpu.memory_space<hbm>>
      tpu.wait_indirect_dma semaphore(%arg10 : memref<!tpu.dma_semaphore, #tpu.memory_space<semaphore_mem>>) src(%dma_wait3A_109 : memref<10000x16xf32, #tpu.memory_space<hbm>>) dst(%arg8 : memref<1024x16xf32, #tpu.memory_space<vmem>>)
      %dma_start3A_110 = arith.constant 2048 : i32
      %dma_start3A_111 = tpu.memref_slice %arg7[%dma_start3A_110] : memref<10880xi32, #tpu.memory_space<vmem>> -> memref<1024xi32, #tpu.memory_space<vmem>>
      %dma_start3A_112 = arith.constant 0 : i32
      %dma_start3A_113 = arith.constant 0 : i32
      %dma_start3A_114 = tpu.memref_slice %arg14[%dma_start3A_112, %dma_start3A_113] : memref<10000x16xf32, #tpu.memory_space<vmem_shared>> -> memref<10000x16xf32, #tpu.memory_space<vmem_shared>>
      tpu.enqueue_indirect_dma source(%arg8 : memref<1024x16xf32, #tpu.memory_space<vmem>>) target(%dma_start3A_114 : memref<10000x16xf32, #tpu.memory_space<vmem_shared>>) offsets(%dma_start3A_111 : memref<1024xi32, #tpu.memory_space<vmem>>) semaphore(%arg12 : memref<!tpu.dma_semaphore, #tpu.memory_space<semaphore_mem>>) {add = true}
      %dma_wait3A_115 = arith.constant 2048 : i32
      %dma_wait3A_116 = tpu.memref_slice %arg7[%dma_wait3A_115] : memref<10880xi32, #tpu.memory_space<vmem>> -> memref<1024xi32, #tpu.memory_space<vmem>>
      %dma_wait3A_117 = arith.constant 0 : i32
      %dma_wait3A_118 = arith.constant 0 : i32
      %dma_wait3A_119 = tpu.memref_slice %arg14[%dma_wait3A_117, %dma_wait3A_118] : memref<10000x16xf32, #tpu.memory_space<vmem_shared>> -> memref<10000x16xf32, #tpu.memory_space<vmem_shared>>
      tpu.wait_indirect_dma semaphore(%arg12 : memref<!tpu.dma_semaphore, #tpu.memory_space<semaphore_mem>>) src(%arg8 : memref<1024x16xf32, #tpu.memory_space<vmem>>) dst(%dma_wait3A_119 : memref<10000x16xf32, #tpu.memory_space<vmem_shared>>)
      %dma_start3A_120 = arith.constant 4096 : i32
      %dma_start3A_121 = tpu.memref_slice %arg6[%dma_start3A_120] : memref<10880xi32, #tpu.memory_space<vmem>> -> memref<1024xi32, #tpu.memory_space<vmem>>
      %dma_start3A_122 = arith.constant 0 : i32
      %dma_start3A_123 = arith.constant 0 : i32
      %dma_start3A_124 = tpu.memref_slice %arg2[%dma_start3A_122, %dma_start3A_123] : memref<10000x16xf32, #tpu.memory_space<hbm>> -> memref<10000x16xf32, #tpu.memory_space<hbm>>
      tpu.enqueue_indirect_dma source(%dma_start3A_124 : memref<10000x16xf32, #tpu.memory_space<hbm>>) target(%arg8 : memref<1024x16xf32, #tpu.memory_space<vmem>>) offsets(%dma_start3A_121 : memref<1024xi32, #tpu.memory_space<vmem>>) semaphore(%arg10 : memref<!tpu.dma_semaphore, #tpu.memory_space<semaphore_mem>>)
      %dma_wait3A_125 = arith.constant 3072 : i32
      %dma_wait3A_126 = tpu.memref_slice %arg6[%dma_wait3A_125] : memref<10880xi32, #tpu.memory_space<vmem>> -> memref<1024xi32, #tpu.memory_space<vmem>>
      %dma_wait3A_127 = arith.constant 0 : i32
      %dma_wait3A_128 = arith.constant 0 : i32
      %dma_wait3A_129 = tpu.memref_slice %arg2[%dma_wait3A_127, %dma_wait3A_128] : memref<10000x16xf32, #tpu.memory_space<hbm>> -> memref<10000x16xf32, #tpu.memory_space<hbm>>
      tpu.wait_indirect_dma semaphore(%arg11 : memref<!tpu.dma_semaphore, #tpu.memory_space<semaphore_mem>>) src(%dma_wait3A_129 : memref<10000x16xf32, #tpu.memory_space<hbm>>) dst(%arg9 : memref<1024x16xf32, #tpu.memory_space<vmem>>)
      %dma_start3A_130 = arith.constant 3072 : i32
      %dma_start3A_131 = tpu.memref_slice %arg7[%dma_start3A_130] : memref<10880xi32, #tpu.memory_space<vmem>> -> memref<1024xi32, #tpu.memory_space<vmem>>
      %dma_start3A_132 = arith.constant 0 : i32
      %dma_start3A_133 = arith.constant 0 : i32
      %dma_start3A_134 = tpu.memref_slice %arg14[%dma_start3A_132, %dma_start3A_133] : memref<10000x16xf32, #tpu.memory_space<vmem_shared>> -> memref<10000x16xf32, #tpu.memory_space<vmem_shared>>
      tpu.enqueue_indirect_dma source(%arg9 : memref<1024x16xf32, #tpu.memory_space<vmem>>) target(%dma_start3A_134 : memref<10000x16xf32, #tpu.memory_space<vmem_shared>>) offsets(%dma_start3A_131 : memref<1024xi32, #tpu.memory_space<vmem>>) semaphore(%arg13 : memref<!tpu.dma_semaphore, #tpu.memory_space<semaphore_mem>>) {add = true}
      %dma_wait3A_135 = arith.constant 3072 : i32
      %dma_wait3A_136 = tpu.memref_slice %arg7[%dma_wait3A_135] : memref<10880xi32, #tpu.memory_space<vmem>> -> memref<1024xi32, #tpu.memory_space<vmem>>
      %dma_wait3A_137 = arith.constant 0 : i32
      %dma_wait3A_138 = arith.constant 0 : i32
      %dma_wait3A_139 = tpu.memref_slice %arg14[%dma_wait3A_137, %dma_wait3A_138] : memref<10000x16xf32, #tpu.memory_space<vmem_shared>> -> memref<10000x16xf32, #tpu.memory_space<vmem_shared>>
      tpu.wait_indirect_dma semaphore(%arg13 : memref<!tpu.dma_semaphore, #tpu.memory_space<semaphore_mem>>) src(%arg9 : memref<1024x16xf32, #tpu.memory_space<vmem>>) dst(%dma_wait3A_139 : memref<10000x16xf32, #tpu.memory_space<vmem_shared>>)
      %dma_start3A_140 = arith.constant 5120 : i32
      %dma_start3A_141 = tpu.memref_slice %arg6[%dma_start3A_140] : memref<10880xi32, #tpu.memory_space<vmem>> -> memref<1024xi32, #tpu.memory_space<vmem>>
      %dma_start3A_142 = arith.constant 0 : i32
      %dma_start3A_143 = arith.constant 0 : i32
      %dma_start3A_144 = tpu.memref_slice %arg2[%dma_start3A_142, %dma_start3A_143] : memref<10000x16xf32, #tpu.memory_space<hbm>> -> memref<10000x16xf32, #tpu.memory_space<hbm>>
      tpu.enqueue_indirect_dma source(%dma_start3A_144 : memref<10000x16xf32, #tpu.memory_space<hbm>>) target(%arg9 : memref<1024x16xf32, #tpu.memory_space<vmem>>) offsets(%dma_start3A_141 : memref<1024xi32, #tpu.memory_space<vmem>>) semaphore(%arg11 : memref<!tpu.dma_semaphore, #tpu.memory_space<semaphore_mem>>)
      %dma_wait3A_145 = arith.constant 4096 : i32
      %dma_wait3A_146 = tpu.memref_slice %arg6[%dma_wait3A_145] : memref<10880xi32, #tpu.memory_space<vmem>> -> memref<1024xi32, #tpu.memory_space<vmem>>
      %dma_wait3A_147 = arith.constant 0 : i32
      %dma_wait3A_148 = arith.constant 0 : i32
      %dma_wait3A_149 = tpu.memref_slice %arg2[%dma_wait3A_147, %dma_wait3A_148] : memref<10000x16xf32, #tpu.memory_space<hbm>> -> memref<10000x16xf32, #tpu.memory_space<hbm>>
      tpu.wait_indirect_dma semaphore(%arg10 : memref<!tpu.dma_semaphore, #tpu.memory_space<semaphore_mem>>) src(%dma_wait3A_149 : memref<10000x16xf32, #tpu.memory_space<hbm>>) dst(%arg8 : memref<1024x16xf32, #tpu.memory_space<vmem>>)
      %dma_start3A_150 = arith.constant 4096 : i32
      %dma_start3A_151 = tpu.memref_slice %arg7[%dma_start3A_150] : memref<10880xi32, #tpu.memory_space<vmem>> -> memref<1024xi32, #tpu.memory_space<vmem>>
      %dma_start3A_152 = arith.constant 0 : i32
      %dma_start3A_153 = arith.constant 0 : i32
      %dma_start3A_154 = tpu.memref_slice %arg14[%dma_start3A_152, %dma_start3A_153] : memref<10000x16xf32, #tpu.memory_space<vmem_shared>> -> memref<10000x16xf32, #tpu.memory_space<vmem_shared>>
      tpu.enqueue_indirect_dma source(%arg8 : memref<1024x16xf32, #tpu.memory_space<vmem>>) target(%dma_start3A_154 : memref<10000x16xf32, #tpu.memory_space<vmem_shared>>) offsets(%dma_start3A_151 : memref<1024xi32, #tpu.memory_space<vmem>>) semaphore(%arg12 : memref<!tpu.dma_semaphore, #tpu.memory_space<semaphore_mem>>) {add = true}
      %dma_wait3A_155 = arith.constant 4096 : i32
      %dma_wait3A_156 = tpu.memref_slice %arg7[%dma_wait3A_155] : memref<10880xi32, #tpu.memory_space<vmem>> -> memref<1024xi32, #tpu.memory_space<vmem>>
      %dma_wait3A_157 = arith.constant 0 : i32
      %dma_wait3A_158 = arith.constant 0 : i32
      %dma_wait3A_159 = tpu.memref_slice %arg14[%dma_wait3A_157, %dma_wait3A_158] : memref<10000x16xf32, #tpu.memory_space<vmem_shared>> -> memref<10000x16xf32, #tpu.memory_space<vmem_shared>>
      tpu.wait_indirect_dma semaphore(%arg12 : memref<!tpu.dma_semaphore, #tpu.memory_space<semaphore_mem>>) src(%arg8 : memref<1024x16xf32, #tpu.memory_space<vmem>>) dst(%dma_wait3A_159 : memref<10000x16xf32, #tpu.memory_space<vmem_shared>>)
      %dma_start3A_160 = arith.constant 6144 : i32
      %dma_start3A_161 = tpu.memref_slice %arg6[%dma_start3A_160] : memref<10880xi32, #tpu.memory_space<vmem>> -> memref<1024xi32, #tpu.memory_space<vmem>>
      %dma_start3A_162 = arith.constant 0 : i32
      %dma_start3A_163 = arith.constant 0 : i32
      %dma_start3A_164 = tpu.memref_slice %arg2[%dma_start3A_162, %dma_start3A_163] : memref<10000x16xf32, #tpu.memory_space<hbm>> -> memref<10000x16xf32, #tpu.memory_space<hbm>>
      tpu.enqueue_indirect_dma source(%dma_start3A_164 : memref<10000x16xf32, #tpu.memory_space<hbm>>) target(%arg8 : memref<1024x16xf32, #tpu.memory_space<vmem>>) offsets(%dma_start3A_161 : memref<1024xi32, #tpu.memory_space<vmem>>) semaphore(%arg10 : memref<!tpu.dma_semaphore, #tpu.memory_space<semaphore_mem>>)
      %dma_wait3A_165 = arith.constant 5120 : i32
      %dma_wait3A_166 = tpu.memref_slice %arg6[%dma_wait3A_165] : memref<10880xi32, #tpu.memory_space<vmem>> -> memref<1024xi32, #tpu.memory_space<vmem>>
      %dma_wait3A_167 = arith.constant 0 : i32
      %dma_wait3A_168 = arith.constant 0 : i32
      %dma_wait3A_169 = tpu.memref_slice %arg2[%dma_wait3A_167, %dma_wait3A_168] : memref<10000x16xf32, #tpu.memory_space<hbm>> -> memref<10000x16xf32, #tpu.memory_space<hbm>>
      tpu.wait_indirect_dma semaphore(%arg11 : memref<!tpu.dma_semaphore, #tpu.memory_space<semaphore_mem>>) src(%dma_wait3A_169 : memref<10000x16xf32, #tpu.memory_space<hbm>>) dst(%arg9 : memref<1024x16xf32, #tpu.memory_space<vmem>>)
      %dma_start3A_170 = arith.constant 5120 : i32
      %dma_start3A_171 = tpu.memref_slice %arg7[%dma_start3A_170] : memref<10880xi32, #tpu.memory_space<vmem>> -> memref<1024xi32, #tpu.memory_space<vmem>>
      %dma_start3A_172 = arith.constant 0 : i32
      %dma_start3A_173 = arith.constant 0 : i32
      %dma_start3A_174 = tpu.memref_slice %arg14[%dma_start3A_172, %dma_start3A_173] : memref<10000x16xf32, #tpu.memory_space<vmem_shared>> -> memref<10000x16xf32, #tpu.memory_space<vmem_shared>>
      tpu.enqueue_indirect_dma source(%arg9 : memref<1024x16xf32, #tpu.memory_space<vmem>>) target(%dma_start3A_174 : memref<10000x16xf32, #tpu.memory_space<vmem_shared>>) offsets(%dma_start3A_171 : memref<1024xi32, #tpu.memory_space<vmem>>) semaphore(%arg13 : memref<!tpu.dma_semaphore, #tpu.memory_space<semaphore_mem>>) {add = true}
      %dma_wait3A_175 = arith.constant 5120 : i32
      %dma_wait3A_176 = tpu.memref_slice %arg7[%dma_wait3A_175] : memref<10880xi32, #tpu.memory_space<vmem>> -> memref<1024xi32, #tpu.memory_space<vmem>>
      %dma_wait3A_177 = arith.constant 0 : i32
      %dma_wait3A_178 = arith.constant 0 : i32
      %dma_wait3A_179 = tpu.memref_slice %arg14[%dma_wait3A_177, %dma_wait3A_178] : memref<10000x16xf32, #tpu.memory_space<vmem_shared>> -> memref<10000x16xf32, #tpu.memory_space<vmem_shared>>
      tpu.wait_indirect_dma semaphore(%arg13 : memref<!tpu.dma_semaphore, #tpu.memory_space<semaphore_mem>>) src(%arg9 : memref<1024x16xf32, #tpu.memory_space<vmem>>) dst(%dma_wait3A_179 : memref<10000x16xf32, #tpu.memory_space<vmem_shared>>)
      %dma_start3A_180 = arith.constant 7168 : i32
      %dma_start3A_181 = tpu.memref_slice %arg6[%dma_start3A_180] : memref<10880xi32, #tpu.memory_space<vmem>> -> memref<1024xi32, #tpu.memory_space<vmem>>
      %dma_start3A_182 = arith.constant 0 : i32
      %dma_start3A_183 = arith.constant 0 : i32
      %dma_start3A_184 = tpu.memref_slice %arg2[%dma_start3A_182, %dma_start3A_183] : memref<10000x16xf32, #tpu.memory_space<hbm>> -> memref<10000x16xf32, #tpu.memory_space<hbm>>
      tpu.enqueue_indirect_dma source(%dma_start3A_184 : memref<10000x16xf32, #tpu.memory_space<hbm>>) target(%arg9 : memref<1024x16xf32, #tpu.memory_space<vmem>>) offsets(%dma_start3A_181 : memref<1024xi32, #tpu.memory_space<vmem>>) semaphore(%arg11 : memref<!tpu.dma_semaphore, #tpu.memory_space<semaphore_mem>>)
      %dma_wait3A_185 = arith.constant 6144 : i32
      %dma_wait3A_186 = tpu.memref_slice %arg6[%dma_wait3A_185] : memref<10880xi32, #tpu.memory_space<vmem>> -> memref<1024xi32, #tpu.memory_space<vmem>>
      %dma_wait3A_187 = arith.constant 0 : i32
      %dma_wait3A_188 = arith.constant 0 : i32
      %dma_wait3A_189 = tpu.memref_slice %arg2[%dma_wait3A_187, %dma_wait3A_188] : memref<10000x16xf32, #tpu.memory_space<hbm>> -> memref<10000x16xf32, #tpu.memory_space<hbm>>
      tpu.wait_indirect_dma semaphore(%arg10 : memref<!tpu.dma_semaphore, #tpu.memory_space<semaphore_mem>>) src(%dma_wait3A_189 : memref<10000x16xf32, #tpu.memory_space<hbm>>) dst(%arg8 : memref<1024x16xf32, #tpu.memory_space<vmem>>)
      %dma_start3A_190 = arith.constant 6144 : i32
      %dma_start3A_191 = tpu.memref_slice %arg7[%dma_start3A_190] : memref<10880xi32, #tpu.memory_space<vmem>> -> memref<1024xi32, #tpu.memory_space<vmem>>
      %dma_start3A_192 = arith.constant 0 : i32
      %dma_start3A_193 = arith.constant 0 : i32
      %dma_start3A_194 = tpu.memref_slice %arg14[%dma_start3A_192, %dma_start3A_193] : memref<10000x16xf32, #tpu.memory_space<vmem_shared>> -> memref<10000x16xf32, #tpu.memory_space<vmem_shared>>
      tpu.enqueue_indirect_dma source(%arg8 : memref<1024x16xf32, #tpu.memory_space<vmem>>) target(%dma_start3A_194 : memref<10000x16xf32, #tpu.memory_space<vmem_shared>>) offsets(%dma_start3A_191 : memref<1024xi32, #tpu.memory_space<vmem>>) semaphore(%arg12 : memref<!tpu.dma_semaphore, #tpu.memory_space<semaphore_mem>>) {add = true}
      %dma_wait3A_195 = arith.constant 6144 : i32
      %dma_wait3A_196 = tpu.memref_slice %arg7[%dma_wait3A_195] : memref<10880xi32, #tpu.memory_space<vmem>> -> memref<1024xi32, #tpu.memory_space<vmem>>
      %dma_wait3A_197 = arith.constant 0 : i32
      %dma_wait3A_198 = arith.constant 0 : i32
      %dma_wait3A_199 = tpu.memref_slice %arg14[%dma_wait3A_197, %dma_wait3A_198] : memref<10000x16xf32, #tpu.memory_space<vmem_shared>> -> memref<10000x16xf32, #tpu.memory_space<vmem_shared>>
      tpu.wait_indirect_dma semaphore(%arg12 : memref<!tpu.dma_semaphore, #tpu.memory_space<semaphore_mem>>) src(%arg8 : memref<1024x16xf32, #tpu.memory_space<vmem>>) dst(%dma_wait3A_199 : memref<10000x16xf32, #tpu.memory_space<vmem_shared>>)
      %dma_start3A_200 = arith.constant 8192 : i32
      %dma_start3A_201 = tpu.memref_slice %arg6[%dma_start3A_200] : memref<10880xi32, #tpu.memory_space<vmem>> -> memref<1024xi32, #tpu.memory_space<vmem>>
      %dma_start3A_202 = arith.constant 0 : i32
      %dma_start3A_203 = arith.constant 0 : i32
      %dma_start3A_204 = tpu.memref_slice %arg2[%dma_start3A_202, %dma_start3A_203] : memref<10000x16xf32, #tpu.memory_space<hbm>> -> memref<10000x16xf32, #tpu.memory_space<hbm>>
      tpu.enqueue_indirect_dma source(%dma_start3A_204 : memref<10000x16xf32, #tpu.memory_space<hbm>>) target(%arg8 : memref<1024x16xf32, #tpu.memory_space<vmem>>) offsets(%dma_start3A_201 : memref<1024xi32, #tpu.memory_space<vmem>>) semaphore(%arg10 : memref<!tpu.dma_semaphore, #tpu.memory_space<semaphore_mem>>)
      %dma_wait3A_205 = arith.constant 7168 : i32
      %dma_wait3A_206 = tpu.memref_slice %arg6[%dma_wait3A_205] : memref<10880xi32, #tpu.memory_space<vmem>> -> memref<1024xi32, #tpu.memory_space<vmem>>
      %dma_wait3A_207 = arith.constant 0 : i32
      %dma_wait3A_208 = arith.constant 0 : i32
      %dma_wait3A_209 = tpu.memref_slice %arg2[%dma_wait3A_207, %dma_wait3A_208] : memref<10000x16xf32, #tpu.memory_space<hbm>> -> memref<10000x16xf32, #tpu.memory_space<hbm>>
      tpu.wait_indirect_dma semaphore(%arg11 : memref<!tpu.dma_semaphore, #tpu.memory_space<semaphore_mem>>) src(%dma_wait3A_209 : memref<10000x16xf32, #tpu.memory_space<hbm>>) dst(%arg9 : memref<1024x16xf32, #tpu.memory_space<vmem>>)
      %dma_start3A_210 = arith.constant 7168 : i32
      %dma_start3A_211 = tpu.memref_slice %arg7[%dma_start3A_210] : memref<10880xi32, #tpu.memory_space<vmem>> -> memref<1024xi32, #tpu.memory_space<vmem>>
      %dma_start3A_212 = arith.constant 0 : i32
      %dma_start3A_213 = arith.constant 0 : i32
      %dma_start3A_214 = tpu.memref_slice %arg14[%dma_start3A_212, %dma_start3A_213] : memref<10000x16xf32, #tpu.memory_space<vmem_shared>> -> memref<10000x16xf32, #tpu.memory_space<vmem_shared>>
      tpu.enqueue_indirect_dma source(%arg9 : memref<1024x16xf32, #tpu.memory_space<vmem>>) target(%dma_start3A_214 : memref<10000x16xf32, #tpu.memory_space<vmem_shared>>) offsets(%dma_start3A_211 : memref<1024xi32, #tpu.memory_space<vmem>>) semaphore(%arg13 : memref<!tpu.dma_semaphore, #tpu.memory_space<semaphore_mem>>) {add = true}
      %dma_wait3A_215 = arith.constant 8192 : i32
      %dma_wait3A_216 = tpu.memref_slice %arg6[%dma_wait3A_215] : memref<10880xi32, #tpu.memory_space<vmem>> -> memref<1024xi32, #tpu.memory_space<vmem>>
      %dma_wait3A_217 = arith.constant 0 : i32
      %dma_wait3A_218 = arith.constant 0 : i32
      %dma_wait3A_219 = tpu.memref_slice %arg2[%dma_wait3A_217, %dma_wait3A_218] : memref<10000x16xf32, #tpu.memory_space<hbm>> -> memref<10000x16xf32, #tpu.memory_space<hbm>>
      tpu.wait_indirect_dma semaphore(%arg10 : memref<!tpu.dma_semaphore, #tpu.memory_space<semaphore_mem>>) src(%dma_wait3A_219 : memref<10000x16xf32, #tpu.memory_space<hbm>>) dst(%arg8 : memref<1024x16xf32, #tpu.memory_space<vmem>>)
      %dma_start3A_220 = arith.constant 8192 : i32
      %dma_start3A_221 = tpu.memref_slice %arg7[%dma_start3A_220] : memref<10880xi32, #tpu.memory_space<vmem>> -> memref<1024xi32, #tpu.memory_space<vmem>>
      %dma_start3A_222 = arith.constant 0 : i32
      %dma_start3A_223 = arith.constant 0 : i32
      %dma_start3A_224 = tpu.memref_slice %arg14[%dma_start3A_222, %dma_start3A_223] : memref<10000x16xf32, #tpu.memory_space<vmem_shared>> -> memref<10000x16xf32, #tpu.memory_space<vmem_shared>>
      tpu.enqueue_indirect_dma source(%arg8 : memref<1024x16xf32, #tpu.memory_space<vmem>>) target(%dma_start3A_224 : memref<10000x16xf32, #tpu.memory_space<vmem_shared>>) offsets(%dma_start3A_221 : memref<1024xi32, #tpu.memory_space<vmem>>) semaphore(%arg12 : memref<!tpu.dma_semaphore, #tpu.memory_space<semaphore_mem>>) {add = true}
      %dma_wait3A_225 = arith.constant 7168 : i32
      %dma_wait3A_226 = tpu.memref_slice %arg7[%dma_wait3A_225] : memref<10880xi32, #tpu.memory_space<vmem>> -> memref<1024xi32, #tpu.memory_space<vmem>>
      %dma_wait3A_227 = arith.constant 0 : i32
      %dma_wait3A_228 = arith.constant 0 : i32
      %dma_wait3A_229 = tpu.memref_slice %arg14[%dma_wait3A_227, %dma_wait3A_228] : memref<10000x16xf32, #tpu.memory_space<vmem_shared>> -> memref<10000x16xf32, #tpu.memory_space<vmem_shared>>
      tpu.wait_indirect_dma semaphore(%arg13 : memref<!tpu.dma_semaphore, #tpu.memory_space<semaphore_mem>>) src(%arg9 : memref<1024x16xf32, #tpu.memory_space<vmem>>) dst(%dma_wait3A_229 : memref<10000x16xf32, #tpu.memory_space<vmem_shared>>)
      %dma_wait3A_230 = arith.constant 8192 : i32
      %dma_wait3A_231 = tpu.memref_slice %arg7[%dma_wait3A_230] : memref<10880xi32, #tpu.memory_space<vmem>> -> memref<1024xi32, #tpu.memory_space<vmem>>
      %dma_wait3A_232 = arith.constant 0 : i32
      %dma_wait3A_233 = arith.constant 0 : i32
      %dma_wait3A_234 = tpu.memref_slice %arg14[%dma_wait3A_232, %dma_wait3A_233] : memref<10000x16xf32, #tpu.memory_space<vmem_shared>> -> memref<10000x16xf32, #tpu.memory_space<vmem_shared>>
      tpu.wait_indirect_dma semaphore(%arg12 : memref<!tpu.dma_semaphore, #tpu.memory_space<semaphore_mem>>) src(%arg8 : memref<1024x16xf32, #tpu.memory_space<vmem>>) dst(%dma_wait3A_234 : memref<10000x16xf32, #tpu.memory_space<vmem_shared>>)
    } else {
    }
    %eq3A_44 = arith.constant 0 : i32
    %eq3A_45 = arith.cmpi eq, %arg0, %eq3A_44 : i32
    %lt3A_46 = arith.constant 4 : i32
    %lt3A_47 = arith.cmpi slt, %arg1, %lt3A_46 : i32
    %and3A_48 = arith.andi %eq3A_45, %lt3A_47 : i1
    %convert_element_type3A_49 = arith.extui %and3A_48 : i1 to i32
    %cond3A_50 = arith.constant 0 : i32
    %cond3A_51 = arith.cmpi ne, %convert_element_type3A_49, %cond3A_50 : i32
    scf.if %cond3A_51 {
      "tpu.region"() ({
        %run_scoped3A = tpu.sem_alloc : memref<!tpu.dma_semaphore, #tpu.memory_space<semaphore_mem>>
        %dma_start3A = arith.constant 0 : i32
        %dma_start3A_57 = arith.constant 0 : i32
        %dma_start3A_58 = tpu.memref_slice %arg8[%dma_start3A, %dma_start3A_57] : memref<1024x16xf32, #tpu.memory_space<vmem>> -> memref<128x16xf32, #tpu.memory_space<vmem>>
        %dma_start3A_59 = arith.constant 10752 : i32
        %dma_start3A_60 = tpu.memref_slice %arg6[%dma_start3A_59] : memref<10880xi32, #tpu.memory_space<vmem>> -> memref<128xi32, #tpu.memory_space<vmem>>
        %dma_start3A_61 = arith.constant 0 : i32
        %dma_start3A_62 = arith.constant 0 : i32
        %dma_start3A_63 = tpu.memref_slice %arg2[%dma_start3A_61, %dma_start3A_62] : memref<10000x16xf32, #tpu.memory_space<hbm>> -> memref<10000x16xf32, #tpu.memory_space<hbm>>
        tpu.enqueue_indirect_dma source(%dma_start3A_63 : memref<10000x16xf32, #tpu.memory_space<hbm>>) target(%dma_start3A_58 : memref<128x16xf32, #tpu.memory_space<vmem>>) offsets(%dma_start3A_60 : memref<128xi32, #tpu.memory_space<vmem>>) semaphore(%run_scoped3A : memref<!tpu.dma_semaphore, #tpu.memory_space<semaphore_mem>>)
        %dma_wait3A = arith.constant 0 : i32
        %dma_wait3A_64 = arith.constant 0 : i32
        %dma_wait3A_65 = tpu.memref_slice %arg8[%dma_wait3A, %dma_wait3A_64] : memref<1024x16xf32, #tpu.memory_space<vmem>> -> memref<128x16xf32, #tpu.memory_space<vmem>>
        %dma_wait3A_66 = arith.constant 10752 : i32
        %dma_wait3A_67 = tpu.memref_slice %arg6[%dma_wait3A_66] : memref<10880xi32, #tpu.memory_space<vmem>> -> memref<128xi32, #tpu.memory_space<vmem>>
        %dma_wait3A_68 = arith.constant 0 : i32
        %dma_wait3A_69 = arith.constant 0 : i32
        %dma_wait3A_70 = tpu.memref_slice %arg2[%dma_wait3A_68, %dma_wait3A_69] : memref<10000x16xf32, #tpu.memory_space<hbm>> -> memref<10000x16xf32, #tpu.memory_space<hbm>>
        tpu.wait_indirect_dma semaphore(%run_scoped3A : memref<!tpu.dma_semaphore, #tpu.memory_space<semaphore_mem>>) src(%dma_wait3A_70 : memref<10000x16xf32, #tpu.memory_space<hbm>>) dst(%dma_wait3A_65 : memref<128x16xf32, #tpu.memory_space<vmem>>)
        tpu.yield
      }) : () -> ()
      "tpu.region"() ({
        %run_scoped3A = tpu.sem_alloc : memref<!tpu.dma_semaphore, #tpu.memory_space<semaphore_mem>>
        %dma_start3A = arith.constant 0 : i32
        %dma_start3A_57 = arith.constant 0 : i32
        %dma_start3A_58 = tpu.memref_slice %arg8[%dma_start3A, %dma_start3A_57] : memref<1024x16xf32, #tpu.memory_space<vmem>> -> memref<128x16xf32, #tpu.memory_space<vmem>>
        %dma_start3A_59 = arith.constant 10752 : i32
        %dma_start3A_60 = tpu.memref_slice %arg7[%dma_start3A_59] : memref<10880xi32, #tpu.memory_space<vmem>> -> memref<128xi32, #tpu.memory_space<vmem>>
        %dma_start3A_61 = arith.constant 0 : i32
        %dma_start3A_62 = arith.constant 0 : i32
        %dma_start3A_63 = tpu.memref_slice %arg14[%dma_start3A_61, %dma_start3A_62] : memref<10000x16xf32, #tpu.memory_space<vmem_shared>> -> memref<10000x16xf32, #tpu.memory_space<vmem_shared>>
        tpu.enqueue_indirect_dma source(%dma_start3A_58 : memref<128x16xf32, #tpu.memory_space<vmem>>) target(%dma_start3A_63 : memref<10000x16xf32, #tpu.memory_space<vmem_shared>>) offsets(%dma_start3A_60 : memref<128xi32, #tpu.memory_space<vmem>>) semaphore(%run_scoped3A : memref<!tpu.dma_semaphore, #tpu.memory_space<semaphore_mem>>) {add = true}
        %dma_wait3A = arith.constant 0 : i32
        %dma_wait3A_64 = arith.constant 0 : i32
        %dma_wait3A_65 = tpu.memref_slice %arg8[%dma_wait3A, %dma_wait3A_64] : memref<1024x16xf32, #tpu.memory_space<vmem>> -> memref<128x16xf32, #tpu.memory_space<vmem>>
        %dma_wait3A_66 = arith.constant 10752 : i32
        %dma_wait3A_67 = tpu.memref_slice %arg7[%dma_wait3A_66] : memref<10880xi32, #tpu.memory_space<vmem>> -> memref<128xi32, #tpu.memory_space<vmem>>
        %dma_wait3A_68 = arith.constant 0 : i32
        %dma_wait3A_69 = arith.constant 0 : i32
        %dma_wait3A_70 = tpu.memref_slice %arg14[%dma_wait3A_68, %dma_wait3A_69] : memref<10000x16xf32, #tpu.memory_space<vmem_shared>> -> memref<10000x16xf32, #tpu.memory_space<vmem_shared>>
        tpu.wait_indirect_dma semaphore(%run_scoped3A : memref<!tpu.dma_semaphore, #tpu.memory_space<semaphore_mem>>) src(%dma_wait3A_65 : memref<128x16xf32, #tpu.memory_space<vmem>>) dst(%dma_wait3A_70 : memref<10000x16xf32, #tpu.memory_space<vmem_shared>>)
        tpu.yield
      }) : () -> ()
    } else {
    }
    %barrier3A_52 = arith.constant 0 : index
    tpu.barrier barrier_id(%barrier3A_52)
    %mul3A_53 = arith.constant 625 : i32
    %mul3A_54 = arith.muli %arg1, %mul3A_53 : i32
    %mul3A_55 = arith.constant 625 : i32
    %mul3A_56 = arith.muli %arg1, %mul3A_55 : i32
    "tpu.region"() ({
      %run_scoped3A = tpu.sem_alloc : memref<!tpu.dma_semaphore, #tpu.memory_space<semaphore_mem>>
      %dma_start3A = arith.constant 0 : i32
      %dma_start3A_57 = tpu.memref_slice %arg5[%arg0, %mul3A_56, %dma_start3A] : memref<2x10000x16xf32, #tpu.memory_space<hbm>> -> memref<1x625x16xf32, #tpu.memory_space<hbm>>
      %dma_start3A_58 = tpu.memref_squeeze %dma_start3A_57 : memref<1x625x16xf32, #tpu.memory_space<hbm>> -> memref<625x16xf32, #tpu.memory_space<hbm>>
      %dma_start3A_59 = arith.constant 0 : i32
      %dma_start3A_60 = tpu.memref_slice %arg14[%mul3A_54, %dma_start3A_59] : memref<10000x16xf32, #tpu.memory_space<vmem_shared>> -> memref<625x16xf32, #tpu.memory_space<vmem_shared>>
      tpu.enqueue_dma source(%dma_start3A_60 : memref<625x16xf32, #tpu.memory_space<vmem_shared>>) target(%dma_start3A_58 : memref<625x16xf32, #tpu.memory_space<hbm>>) target_semaphore(%run_scoped3A : memref<!tpu.dma_semaphore, #tpu.memory_space<semaphore_mem>>)
      %dma_wait3A = arith.constant 0 : i32
      %dma_wait3A_61 = tpu.memref_slice %arg5[%arg0, %mul3A_56, %dma_wait3A] : memref<2x10000x16xf32, #tpu.memory_space<hbm>> -> memref<1x625x16xf32, #tpu.memory_space<hbm>>
      %dma_wait3A_62 = tpu.memref_squeeze %dma_wait3A_61 : memref<1x625x16xf32, #tpu.memory_space<hbm>> -> memref<625x16xf32, #tpu.memory_space<hbm>>
      %dma_wait3A_63 = arith.constant 0 : i32
      %dma_wait3A_64 = tpu.memref_slice %arg14[%mul3A_54, %dma_wait3A_63] : memref<10000x16xf32, #tpu.memory_space<vmem_shared>> -> memref<625x16xf32, #tpu.memory_space<vmem_shared>>
      tpu.wait_dma2 semaphore(%run_scoped3A : memref<!tpu.dma_semaphore, #tpu.memory_space<semaphore_mem>>) src(%dma_wait3A_64 : memref<625x16xf32, #tpu.memory_space<vmem_shared>>) dst(%dma_wait3A_62 : memref<625x16xf32, #tpu.memory_space<hbm>>)
      tpu.yield
    }) : () -> ()
    return
  }
}

module attributes {stable_mosaic.version = 14 : i64} {
  func.func @_matmul_body(%arg0: memref<1250x8x128xf32, #tpu.memory_space<vmem>>, %arg1: memref<128x16xf32, #tpu.memory_space<vmem>>, %arg2: memref<1250x128xf32, #tpu.memory_space<vmem>>) attributes {dimension_semantics = [], scalar_prefetch = 0 : i64, scratch_operands = 0 : i64, tpu.core_type = #tpu.core_type<tc>} {
    %get3A = arith.constant 0 : index
    %get3A_0 = arith.constant 0 : index
    %get3A_1 = vector.load %arg1[%get3A, %get3A_0] : memref<128x16xf32, #tpu.memory_space<vmem>>, vector<128x16xf32>
    %get3A_2 = arith.constant 0 : index
    %get3A_3 = arith.constant 0 : index
    %get3A_4 = arith.constant 0 : index
    %get3A_5 = vector.load %arg0[%get3A_2, %get3A_3, %get3A_4] : memref<1250x8x128xf32, #tpu.memory_space<vmem>>, vector<1250x1x128xf32>
    %get3A_6 = vector.shape_cast %get3A_5 : vector<1250x1x128xf32> to vector<1250x128xf32>
    %dot_general3A = arith.constant dense<0.000000e+00> : vector<1250x16xf32>
    %dot_general3A_7 = tpu.matmul %get3A_6, %get3A_1, %dot_general3A {dimension_numbers = #tpu.dot_dimension_numbers<[1], [0], [0], [1], [0, 0, 1, 1], [], []>, transpose_lhs_hint = false} : vector<1250x128xf32>, vector<128x16xf32>, vector<1250x16xf32> -> vector<1250x16xf32>
    %swap3A = arith.constant 0 : index
    %swap3A_8 = arith.constant 0 : index
    %swap3A_9 = vector.load %arg2[%swap3A, %swap3A_8] : memref<1250x128xf32, #tpu.memory_space<vmem>>, vector<1250x16xf32>
    tpu.vector_store %arg2[%swap3A, %swap3A_8], %dot_general3A_7 {strides = array<i32>} : memref<1250x128xf32, #tpu.memory_space<vmem>>, vector<1250x16xf32>,
    %get3A_10 = arith.constant 0 : index
    %get3A_11 = arith.constant 1 : index
    %get3A_12 = arith.constant 0 : index
    %get3A_13 = vector.load %arg0[%get3A_10, %get3A_11, %get3A_12] : memref<1250x8x128xf32, #tpu.memory_space<vmem>>, vector<1250x1x128xf32>
    %get3A_14 = vector.shape_cast %get3A_13 : vector<1250x1x128xf32> to vector<1250x128xf32>
    %dot_general3A_15 = arith.constant dense<0.000000e+00> : vector<1250x16xf32>
    %dot_general3A_16 = tpu.matmul %get3A_14, %get3A_1, %dot_general3A_15 {dimension_numbers = #tpu.dot_dimension_numbers<[1], [0], [0], [1], [0, 0, 1, 1], [], []>, transpose_lhs_hint = false} : vector<1250x128xf32>, vector<128x16xf32>, vector<1250x16xf32> -> vector<1250x16xf32>
    %swap3A_17 = arith.constant 0 : index
    %swap3A_18 = arith.constant 16 : index
    %swap3A_19 = vector.load %arg2[%swap3A_17, %swap3A_18] : memref<1250x128xf32, #tpu.memory_space<vmem>>, vector<1250x16xf32>
    tpu.vector_store %arg2[%swap3A_17, %swap3A_18], %dot_general3A_16 {strides = array<i32>} : memref<1250x128xf32, #tpu.memory_space<vmem>>, vector<1250x16xf32>,
    %get3A_20 = arith.constant 0 : index
    %get3A_21 = arith.constant 2 : index
    %get3A_22 = arith.constant 0 : index
    %get3A_23 = vector.load %arg0[%get3A_20, %get3A_21, %get3A_22] : memref<1250x8x128xf32, #tpu.memory_space<vmem>>, vector<1250x1x128xf32>
    %get3A_24 = vector.shape_cast %get3A_23 : vector<1250x1x128xf32> to vector<1250x128xf32>
    %dot_general3A_25 = arith.constant dense<0.000000e+00> : vector<1250x16xf32>
    %dot_general3A_26 = tpu.matmul %get3A_24, %get3A_1, %dot_general3A_25 {dimension_numbers = #tpu.dot_dimension_numbers<[1], [0], [0], [1], [0, 0, 1, 1], [], []>, transpose_lhs_hint = false} : vector<1250x128xf32>, vector<128x16xf32>, vector<1250x16xf32> -> vector<1250x16xf32>
    %swap3A_27 = arith.constant 0 : index
    %swap3A_28 = arith.constant 32 : index
    %swap3A_29 = vector.load %arg2[%swap3A_27, %swap3A_28] : memref<1250x128xf32, #tpu.memory_space<vmem>>, vector<1250x16xf32>
    tpu.vector_store %arg2[%swap3A_27, %swap3A_28], %dot_general3A_26 {strides = array<i32>} : memref<1250x128xf32, #tpu.memory_space<vmem>>, vector<1250x16xf32>,
    %get3A_30 = arith.constant 0 : index
    %get3A_31 = arith.constant 3 : index
    %get3A_32 = arith.constant 0 : index
    %get3A_33 = vector.load %arg0[%get3A_30, %get3A_31, %get3A_32] : memref<1250x8x128xf32, #tpu.memory_space<vmem>>, vector<1250x1x128xf32>
    %get3A_34 = vector.shape_cast %get3A_33 : vector<1250x1x128xf32> to vector<1250x128xf32>
    %dot_general3A_35 = arith.constant dense<0.000000e+00> : vector<1250x16xf32>
    %dot_general3A_36 = tpu.matmul %get3A_34, %get3A_1, %dot_general3A_35 {dimension_numbers = #tpu.dot_dimension_numbers<[1], [0], [0], [1], [0, 0, 1, 1], [], []>, transpose_lhs_hint = false} : vector<1250x128xf32>, vector<128x16xf32>, vector<1250x16xf32> -> vector<1250x16xf32>
    %swap3A_37 = arith.constant 0 : index
    %swap3A_38 = arith.constant 48 : index
    %swap3A_39 = vector.load %arg2[%swap3A_37, %swap3A_38] : memref<1250x128xf32, #tpu.memory_space<vmem>>, vector<1250x16xf32>
    tpu.vector_store %arg2[%swap3A_37, %swap3A_38], %dot_general3A_36 {strides = array<i32>} : memref<1250x128xf32, #tpu.memory_space<vmem>>, vector<1250x16xf32>,
    %get3A_40 = arith.constant 0 : index
    %get3A_41 = arith.constant 4 : index
    %get3A_42 = arith.constant 0 : index
    %get3A_43 = vector.load %arg0[%get3A_40, %get3A_41, %get3A_42] : memref<1250x8x128xf32, #tpu.memory_space<vmem>>, vector<1250x1x128xf32>
    %get3A_44 = vector.shape_cast %get3A_43 : vector<1250x1x128xf32> to vector<1250x128xf32>
    %dot_general3A_45 = arith.constant dense<0.000000e+00> : vector<1250x16xf32>
    %dot_general3A_46 = tpu.matmul %get3A_44, %get3A_1, %dot_general3A_45 {dimension_numbers = #tpu.dot_dimension_numbers<[1], [0], [0], [1], [0, 0, 1, 1], [], []>, transpose_lhs_hint = false} : vector<1250x128xf32>, vector<128x16xf32>, vector<1250x16xf32> -> vector<1250x16xf32>
    %swap3A_47 = arith.constant 0 : index
    %swap3A_48 = arith.constant 64 : index
    %swap3A_49 = vector.load %arg2[%swap3A_47, %swap3A_48] : memref<1250x128xf32, #tpu.memory_space<vmem>>, vector<1250x16xf32>
    tpu.vector_store %arg2[%swap3A_47, %swap3A_48], %dot_general3A_46 {strides = array<i32>} : memref<1250x128xf32, #tpu.memory_space<vmem>>, vector<1250x16xf32>,
    %get3A_50 = arith.constant 0 : index
    %get3A_51 = arith.constant 5 : index
    %get3A_52 = arith.constant 0 : index
    %get3A_53 = vector.load %arg0[%get3A_50, %get3A_51, %get3A_52] : memref<1250x8x128xf32, #tpu.memory_space<vmem>>, vector<1250x1x128xf32>
    %get3A_54 = vector.shape_cast %get3A_53 : vector<1250x1x128xf32> to vector<1250x128xf32>
    %dot_general3A_55 = arith.constant dense<0.000000e+00> : vector<1250x16xf32>
    %dot_general3A_56 = tpu.matmul %get3A_54, %get3A_1, %dot_general3A_55 {dimension_numbers = #tpu.dot_dimension_numbers<[1], [0], [0], [1], [0, 0, 1, 1], [], []>, transpose_lhs_hint = false} : vector<1250x128xf32>, vector<128x16xf32>, vector<1250x16xf32> -> vector<1250x16xf32>
    %swap3A_57 = arith.constant 0 : index
    %swap3A_58 = arith.constant 80 : index
    %swap3A_59 = vector.load %arg2[%swap3A_57, %swap3A_58] : memref<1250x128xf32, #tpu.memory_space<vmem>>, vector<1250x16xf32>
    tpu.vector_store %arg2[%swap3A_57, %swap3A_58], %dot_general3A_56 {strides = array<i32>} : memref<1250x128xf32, #tpu.memory_space<vmem>>, vector<1250x16xf32>,
    %get3A_60 = arith.constant 0 : index
    %get3A_61 = arith.constant 6 : index
    %get3A_62 = arith.constant 0 : index
    %get3A_63 = vector.load %arg0[%get3A_60, %get3A_61, %get3A_62] : memref<1250x8x128xf32, #tpu.memory_space<vmem>>, vector<1250x1x128xf32>
    %get3A_64 = vector.shape_cast %get3A_63 : vector<1250x1x128xf32> to vector<1250x128xf32>
    %dot_general3A_65 = arith.constant dense<0.000000e+00> : vector<1250x16xf32>
    %dot_general3A_66 = tpu.matmul %get3A_64, %get3A_1, %dot_general3A_65 {dimension_numbers = #tpu.dot_dimension_numbers<[1], [0], [0], [1], [0, 0, 1, 1], [], []>, transpose_lhs_hint = false} : vector<1250x128xf32>, vector<128x16xf32>, vector<1250x16xf32> -> vector<1250x16xf32>
    %swap3A_67 = arith.constant 0 : index
    %swap3A_68 = arith.constant 96 : index
    %swap3A_69 = vector.load %arg2[%swap3A_67, %swap3A_68] : memref<1250x128xf32, #tpu.memory_space<vmem>>, vector<1250x16xf32>
    tpu.vector_store %arg2[%swap3A_67, %swap3A_68], %dot_general3A_66 {strides = array<i32>} : memref<1250x128xf32, #tpu.memory_space<vmem>>, vector<1250x16xf32>,
    %get3A_70 = arith.constant 0 : index
    %get3A_71 = arith.constant 7 : index
    %get3A_72 = arith.constant 0 : index
    %get3A_73 = vector.load %arg0[%get3A_70, %get3A_71, %get3A_72] : memref<1250x8x128xf32, #tpu.memory_space<vmem>>, vector<1250x1x128xf32>
    %get3A_74 = vector.shape_cast %get3A_73 : vector<1250x1x128xf32> to vector<1250x128xf32>
    %dot_general3A_75 = arith.constant dense<0.000000e+00> : vector<1250x16xf32>
    %dot_general3A_76 = tpu.matmul %get3A_74, %get3A_1, %dot_general3A_75 {dimension_numbers = #tpu.dot_dimension_numbers<[1], [0], [0], [1], [0, 0, 1, 1], [], []>, transpose_lhs_hint = false} : vector<1250x128xf32>, vector<128x16xf32>, vector<1250x16xf32> -> vector<1250x16xf32>
    %swap3A_77 = arith.constant 0 : index
    %swap3A_78 = arith.constant 112 : index
    %swap3A_79 = vector.load %arg2[%swap3A_77, %swap3A_78] : memref<1250x128xf32, #tpu.memory_space<vmem>>, vector<1250x16xf32>
    tpu.vector_store %arg2[%swap3A_77, %swap3A_78], %dot_general3A_76 {strides = array<i32>} : memref<1250x128xf32, #tpu.memory_space<vmem>>, vector<1250x16xf32>,
    return
  }
}

module attributes {stable_mosaic.version = 14 : i64} {
  func.func @_scale_body(%arg0: memref<1250x128xf32, #tpu.memory_space<vmem>>, %arg1: memref<1280x128xf32, #tpu.memory_space<vmem>>, %arg2: memref<1250x128xf32, #tpu.memory_space<vmem>>) attributes {dimension_semantics = [], scalar_prefetch = 0 : i64, scratch_operands = 0 : i64, tpu.core_type = #tpu.core_type<tc>} {
    %get3A = arith.constant 0 : index
    %get3A_0 = arith.constant 0 : index
    %get3A_1 = vector.load %arg0[%get3A, %get3A_0] : memref<1250x128xf32, #tpu.memory_space<vmem>>, vector<1250x128xf32>
    %get3A_2 = arith.constant 0 : index
    %get3A_3 = arith.constant 0 : index
    %get3A_4 = vector.load %arg1[%get3A_2, %get3A_3] : memref<1280x128xf32, #tpu.memory_space<vmem>>, vector<1250x128xf32>
    %mul3A = arith.mulf %get3A_1, %get3A_4 : vector<1250x128xf32>
    %swap3A = arith.constant 0 : index
    %swap3A_5 = arith.constant 0 : index
    %swap3A_6 = vector.load %arg2[%swap3A, %swap3A_5] : memref<1250x128xf32, #tpu.memory_space<vmem>>, vector<1250x128xf32>
    tpu.vector_store %arg2[%swap3A, %swap3A_5], %mul3A {strides = array<i32>} : memref<1250x128xf32, #tpu.memory_space<vmem>>, vector<1250x128xf32>,
    return
  }
}

module attributes {stable_mosaic.version = 14 : i64} {
  func.func @_final_body(%arg0: memref<2x1250x128xf32, #tpu.memory_space<vmem>>, %arg1: memref<1250x128xf32, #tpu.memory_space<vmem>>, %arg2: memref<1280x128xf32, #tpu.memory_space<vmem>>, %arg3: memref<1x128xf32, #tpu.memory_space<vmem>>, %arg4: memref<1250x128xf32, #tpu.memory_space<vmem>>) attributes {dimension_semantics = [], scalar_prefetch = 0 : i64, scratch_operands = 0 : i64, tpu.core_type = #tpu.core_type<tc>} {
    %get3A = arith.constant 0 : index
    %get3A_0 = arith.constant 0 : index
    %get3A_1 = arith.constant 0 : index
    %get3A_2 = vector.load %arg0[%get3A, %get3A_0, %get3A_1] : memref<2x1250x128xf32, #tpu.memory_space<vmem>>, vector<1x1250x128xf32>
    %get3A_3 = vector.shape_cast %get3A_2 : vector<1x1250x128xf32> to vector<1250x128xf32>
    %get3A_4 = arith.constant 1 : index
    %get3A_5 = arith.constant 0 : index
    %get3A_6 = arith.constant 0 : index
    %get3A_7 = vector.load %arg0[%get3A_4, %get3A_5, %get3A_6] : memref<2x1250x128xf32, #tpu.memory_space<vmem>>, vector<1x1250x128xf32>
    %get3A_8 = vector.shape_cast %get3A_7 : vector<1x1250x128xf32> to vector<1250x128xf32>
    %add3A = arith.addf %get3A_3, %get3A_8 : vector<1250x128xf32>
    %get3A_9 = arith.constant 0 : index
    %get3A_10 = arith.constant 0 : index
    %get3A_11 = vector.load %arg1[%get3A_9, %get3A_10] : memref<1250x128xf32, #tpu.memory_space<vmem>>, vector<1250x128xf32>
    %add3A_12 = arith.addf %add3A, %get3A_11 : vector<1250x128xf32>
    %get3A_13 = arith.constant 0 : index
    %get3A_14 = arith.constant 0 : index
    %get3A_15 = vector.load %arg2[%get3A_13, %get3A_14] : memref<1280x128xf32, #tpu.memory_space<vmem>>, vector<1250x128xf32>
    %mul3A = arith.mulf %add3A_12, %get3A_15 : vector<1250x128xf32>
    %get3A_16 = arith.constant 0 : index
    %get3A_17 = arith.constant 0 : index
    %get3A_18 = vector.load %arg3[%get3A_16, %get3A_17] : memref<1x128xf32, #tpu.memory_space<vmem>>, vector<1x128xf32>
    %add3A_19 = vector.broadcast %get3A_18 : vector<1x128xf32> to vector<1250x128xf32>
    %add3A_20 = arith.addf %mul3A, %add3A_19 : vector<1250x128xf32>
    %swap3A = arith.constant 0 : index
    %swap3A_21 = arith.constant 0 : index
    %swap3A_22 = vector.load %arg4[%swap3A, %swap3A_21] : memref<1250x128xf32, #tpu.memory_space<vmem>>, vector<1250x128xf32>
    tpu.vector_store %arg4[%swap3A, %swap3A_21], %add3A_20 {strides = array<i32>} : memref<1250x128xf32, #tpu.memory_space<vmem>>, vector<1250x128xf32>,
    return
  }
}

</mosaic_0001>

<sc_bundles>
// kernel: kernel.10.cloned.1.call-start
scs
__scs_entry_jumppad:
0x0: {  	(pc) =	sbr.rel $0x88, $3  }
0x1: {  	(tag) =	ssettag $0x0;
	lr =	simm.s32 $0x1  }
0x2: {  	[smem:$0x3F9D] =	sst lr;
	_ =	strace $0xD0000000  }
0x3: {  	_ = 	snop  }
0x4: {  	_ = 	snop  }
0x5: {  	_ = 	snop  }
0x6: {  	_ = 	snop  }
0x7: {  	_ = 	snop  }
__scs_overlays_trampoline_lowered:
0x8: {  	[smem:$0x3FAC] =	sst s0  }
0x9: {  	[smem:$0x3FAD] =	sst s1  }
0xa: {  	[smem:$0x3FAE] =	sst s2  }
0xb: {  	[smem:$0x3FAF] =	sst s3  }
0xc: {  	[smem:$0x3FB0] =	sst s4  }
0xd: {  	[smem:$0x3FB1] =	sst s5  }
0xe: {  	[smem:$0x3FB2] =	sst s6  }
0xf: {  	[smem:$0x3FB3] =	sst s7  }
0x10: {  	[smem:$0x3FB4] =	sst s8  }
0x11: {  	[smem:$0x3FB5] =	sst s9;
	s0 =	simm.s32 @!p0 $0x0  }
0x12: {  	s1 =	sld [smem:$0x3F9B];
	s0 =	simm.s32 @p0 $0x1  }
0x13: {  	[smem:$0x3FB6] =	sst s0;
	s0 =	simm.s32 @!p1 $0x0  }
0x14: {  	s2 =	sld [smem:$0x3F9A];
	s0 =	simm.s32 @p1 $0x1  }
0x15: {  	[smem:$0x3FB7] =	sst s0;
	s0 =	simm.s32 @!p2 $0x0  }
0x16: {  	s3 =	sld [smem:$0x3FDB];
	s0 =	simm.s32 @p2 $0x1  }
0x17: {  	s4 =	simm.s32 $0x1BF5;
	[smem:$0x3FB9] =	sst s0  }
0x18: {  	s0 =	sld [smem:$0x3F9C];
	_ =	swait.ge [sflag:s4], $0x0  }
0x19: {  	s7 =	sld [smem:$0x3F9D]  }
0x1a: {  	s8 =	sadd.s32 $0xFFFFE003, lr  }
0x1b: {  	s9 =	sadd.s32 $0xFFFFFEF7, lr;
	s5 =	simm.s32 $0xFFFFFFFF;
	p2 =	slt.u32 s8, $0xFFFFF086  }
0x1c: {  	p1 =	slt.u32 s9, $0xF7A;
	s5 =	simm.s32 @!p2 $0x0  }
0x1d: {  	s5 =	simm.s32 @p1 $0x1;
	p0 =	seq.s32 s7, s2  }
0x1e: {  	s7 =	smul.u32 @!p0 $0xF7A, s2;
	p2 =	seq.s32 @!p0 s5, $0x0  }
0x1f: {  	s9 =	smul.u32 $0xF7A, s1;
	s8 =	simm.s32 @!p0 $0x1BF5;
	p2 =	por !p2, p0  }
0x20: {  	[sflag:s8] =	ssyncset.s32 @!p0 $0xFFFFF086;
	s6 =	sadd.s32 @!p0 s3, s7;
	s7 =	simm.s32 @!p0 $0x108  }
0x21: {  	s3 =	sadd.s32 s3, s9;
	s6 =	sadd.s32 @!p0 $0x88, s6;
	s7 =	simm.s32 @p2 $0x1082  }
0x22: {  	[simem:s7], [sflag:s8] =	dma.local @!p0 [hbm:s6], $0xF7A  }
0x23: {  	s9 =	sor.u32 $0xD0000000, s2;
	s6 =	simm.s32 $0x108;
	_ =	swait.ge @!p0 [sflag:s8], $0x0  }
0x24: {  	s3 =	sadd.s32 $0x88, s3;
	s6 =	simm.s32 @!p1 $0x1082;
	[sflag:s4] =	ssyncset.s32 $0xFFFFF086  }
0x25: {  	[simem:s6], [sflag:s4] =	dma.local [hbm:s3], $0xF7A  }
0x26: {  	[smem:$0x3F9D] =	sst s1;
	(tag) =	ssettag s2;
	_ =	strace s9  }
0x27: {  	s1 =	sld [smem:$0x3FAD]  }
0x28: {  	s2 =	sld [smem:$0x3FAE]  }
0x29: {  	s4 =	sld [smem:$0x3FB0]  }
0x2a: {  	p0 =	seq.s32 s5, $0x0;
	s5 =	sld [smem:$0x3FB1]  }
0x2b: {  	s6 =	sld [smem:$0x3FB2]  }
0x2c: {  	s7 =	sld [smem:$0x3FB3]  }
0x2d: {  	s3 =	simm.s32 $0x108;
	s8 =	sld [smem:$0x3FB4]  }
0x2e: {  	s3 =	simm.s32 @!p0 $0x1082;
	s9 =	sld [smem:$0x3FB5]  }
0x2f: {  	lr =	sadd.s32 s0, s3;
	s0 =	sld [smem:$0x3FAC]  }
0x30: {  	s3 =	sld [smem:$0x3FAF]  }
0x31: {  	[smem:$0x3FB8] =	sst s10  }
0x32: {  	s10 =	sld [smem:$0x3FB6];
	_ =	sdelay $0x3  }
0x33: {  	p0 =	seq.s32 s10, $0x1;
	s10 =	sld [smem:$0x3FB8];
	_ =	sdelay $0x3  }
0x34: {  	[smem:$0x3FB8] =	sst s10  }
0x35: {  	s10 =	sld [smem:$0x3FB7];
	_ =	sdelay $0x3  }
0x36: {  	p1 =	seq.s32 s10, $0x1;
	s10 =	sld [smem:$0x3FB8];
	_ =	sdelay $0x3  }
0x37: {  	[smem:$0x3FB8] =	sst s10  }
0x38: {  	s10 =	sld [smem:$0x3FB9]  }
0x39: {  	_ = 	snop;
	(pc) =	sbr.ind lr, $3  }
0x3a: {  	_ = 	snop  }
0x3b: {  	_ = 	snop  }
0x3c: {  	p2 =	seq.s32 s10, $0x1;
	s10 =	sld [smem:$0x3FB8]  }
0x3d: {  	_ =	shalt  }
0x3e: {  	_ =	shalt  }
0x3f: {  	_ =	shalt  }
0x40: {  	_ =	shalt  }
0x41: {  	_ =	shalt  }
0x42: {  	_ =	shalt  }
0x43: {  	_ =	shalt  }
0x44: {  	_ =	shalt  }
0x45: {  	_ =	shalt  }
0x46: {  	_ =	shalt  }
0x47: {  	_ =	shalt  }
0x48: {  	_ =	shalt  }
0x49: {  	_ =	shalt  }
0x4a: {  	_ =	shalt  }
0x4b: {  	_ =	shalt  }
0x4c: {  	_ =	shalt  }
0x4d: {  	_ =	shalt  }
0x4e: {  	_ =	shalt  }
0x4f: {  	_ =	shalt  }
0x50: {  	_ =	shalt  }
0x51: {  	_ =	shalt  }
0x52: {  	_ =	shalt  }
0x53: {  	_ =	shalt  }
0x54: {  	_ =	shalt  }
0x55: {  	_ =	shalt  }
0x56: {  	_ =	shalt  }
0x57: {  	_ =	shalt  }
0x58: {  	_ =	shalt  }
0x59: {  	_ =	shalt  }
0x5a: {  	_ =	shalt  }
0x5b: {  	_ =	shalt  }
0x5c: {  	_ =	shalt  }
0x5d: {  	_ =	shalt  }
0x5e: {  	_ =	shalt  }
0x5f: {  	_ =	shalt  }
0x60: {  	_ =	shalt  }
0x61: {  	_ =	shalt  }
0x62: {  	_ =	shalt  }
0x63: {  	_ =	shalt  }
0x64: {  	_ =	shalt  }
0x65: {  	_ =	shalt  }
0x66: {  	_ =	shalt  }
0x67: {  	_ =	shalt  }
0x68: {  	_ =	shalt  }
0x69: {  	_ =	shalt  }
0x6a: {  	_ =	shalt  }
0x6b: {  	_ =	shalt  }
0x6c: {  	_ =	shalt  }
0x6d: {  	_ =	shalt  }
0x6e: {  	_ =	shalt  }
0x6f: {  	_ =	shalt  }
0x70: {  	_ =	shalt  }
0x71: {  	_ =	shalt  }
0x72: {  	_ =	shalt  }
0x73: {  	_ =	shalt  }
0x74: {  	_ =	shalt  }
0x75: {  	_ =	shalt  }
0x76: {  	_ =	shalt  }
0x77: {  	_ =	shalt  }
0x78: {  	_ =	shalt  }
0x79: {  	_ =	shalt  }
0x7a: {  	_ =	shalt  }
0x7b: {  	_ =	shalt  }
0x7c: {  	_ =	shalt  }
0x7d: {  	_ =	shalt  }
0x7e: {  	_ =	shalt  }
0x7f: {  	_ =	shalt  }
0x80: {  	_ =	shalt  }
0x81: {  	_ =	shalt  }
0x82: {  	_ =	shalt  }
0x83: {  	_ =	shalt  }
0x84: {  	_ =	shalt  }
0x85: {  	_ =	shalt  }
0x86: {  	_ =	shalt  }
0x87: {  	_ =	shalt  }
.Lfunc_end0:
.L_simem_size_0:
called_computation.1_lowered:
.L_overlay_start_0:
0x88: {  	s2 =	sld [smem:$0x3FD9]  }
0x89: {  	s3 =	sld [smem:$0x3FFE];
	_ =	sdelay $0x1  }
0x8a: {  	s1 =	srdreg.scid  }
0x8b: {  	s0 =	sand.u32 $0x1, s1  }
0x8c: {  	s17 =	sshll.u32 s0, $0xA;
	s2 =	sadd.s32 s3, s2  }
0x8d: {  	s2 =	sadd.s32 s2, s17  }
0x8e: {  	[smem:$0x3FC4] =	sst s2  }
0x8f: {  	_ = 	snop  }
0x90: {  	s2 =	sld [smem:$0x3FD0];
	(tm) =	ssettm $0x1  }
0x91: {  	s18 =	sld [smem:$0x3FFB];
	_ =	sdelay $0x3  }
0x92: {  	_ =	strace s18  }
0x93: {  	s3 =	sld [smem:$0x3FFC];
	_ =	sdelay $0x3  }
0x94: {  	_ =	strace s3  }
0x95: {  	s3 =	sld [smem:$0x3FFD];
	_ =	sdelay $0x3  }
0x96: {  	_ =	strace s3  }
0x97: {  	_ =	strace $0x8FFFFFFF  }
0x98: {  	s19 =	sld [smem:$0x3FDB];
	_ =	sdelay $0x1  }
0x99: {  	s4 =	simm.s32 $_scs_section_size  }
0x9a: {  	s5 =	simm.s32 $_size__tile_overlayer_lowered;
	s6 =	simm.s32 $_tile_overlayer_lowered  }
0x9b: {  	s22 =	simm.s32 $0x1BFF;
	s21 =	sshll.u32 s6, $0x1;
	s3 =	sadd.s32 s4, s19  }
0x9c: {  	s7 =	simm.s32 $0x0;
	s20 =	sshll.u32 s5, $0x1;
	s5 =	sadd.s32 s21, s3  }
0x9d: {  	[timem:s7], [sflag:s22] =	dma.local [hbm:s5], s20  }
0x9e: {  	_ =	swait.ge [sflag:s22], s20  }
0x9f: {  	s4 =	ssub.s32 $0x0, s20;
	[sflag:s22] =	ssyncset.done $0x0  }
0xa0: {  	[sflag:s22] =	ssyncadd.s32 s4;
	_ =	sdelay $0x1  }
0xa1: {  	s23 =	simm.s32 $0x1B8B  }
0xa2: {  	_ =	swait.ge [sflag:s23], $0x1  }
0xa3: {  	[sflag:s23] =	ssyncset.done $0x0  }
0xa4: {  	s25 =	simm.s32 $0x1B8E;
	s24 =	sld [smem:$0x3FFE];
	[sflag:s23] =	ssyncadd.s32 $0xFFFFFFFF  }
0xa5: {  	s26 =	simm.s32 $execute0_lowered;
	[smem:$0x3FD2] =	sst s25  }
0xa6: {  	s5 =	sshll.u32 s26, $0x1;
	_ =	strace $0x80000049;
	[dreg:$0x1] =	wrdreg $0xFFFFFFFF  }
0xa7: {  	s28 =	simm.s32 $_size_execute0_lowered;
	s3 =	sadd.s32 s3, s5;
	[dreg:$0x0] =	wrdreg $0x0  }
0xa8: {  	s5 =	sshll.u32 s28, $0x1;
	[dreg:$0x2] =	wrdreg s3  }
0xa9: {  	[dreg:$0x3] =	wrdreg s5  }
0xaa: {  	[dreg:$0x4] =	wrdreg $0xC0  }
0xab: {  	_ =	task [dreg:s7], $0x5FFFF  }
0xac: {  	[dreg:$0x1] =	wrdreg $0xFFFFFFFF  }
0xad: {  	[dreg:$0x0] =	wrdreg $0x60  }
0xae: {  	[dreg:$0x2] =	wrdreg s2  }
0xaf: {  	[dreg:$0x3] =	wrdreg s24  }
0xb0: {  	[dreg:$0x4] =	wrdreg $0xD5000  }
0xb1: {  	[dreg:$0x5] =	wrdreg $0x9  }
0xb2: {  	_ =	task.clear_ibuf [dreg:s7], $0x6FFFF;
	_ =	strace $0x90000049  }
0xb3: {  	s29 =	simm.s32 $0x9;
	_ =	strace $0x8000004B  }
0xb4: {  	_ =	swait.ge [sflag:s29], $0x1  }
0xb5: {  	[sflag:s29] =	ssyncadd.s32 $0xFFFFFFFF  }
0xb6: {  	_ =	strace $0x9000004B  }
0xb7: {  	_ =	sfence  }
0xb8: {  	s30 =	sld [smem:$0x0];
	_ =	sdelay $0x2  }
0xb9: {  	s31 =	sshll.u32 s1, $0xD;
	s1 =	sshrl.u32 s1, $0x2  }
0xba: {  	s3 =	sand.u32 $0x4000, s31;
	s1 =	sadd.s32 s1, s30  }
0xbb: {  	s0 =	sor.u32 s3, s0;
	s1 =	sshll.u32 s1, $0x11  }
0xbc: {  	s0 =	sor.u32 s1, s0  }
0xbd: {  	s0 =	sadd.s32 $0x8F2B, s0  }
0xbe: {  	[sflag:s0] =	ssyncadd.remote.s32 $0x1  }
0xbf: {  	_ =	sfence.sel $0xFFFF  }
0xc0: {  	[dreg:$0x0] =	wrdreg $0xFFFFFFFF;
	(pc) =	sbr.abs _section_cstart, $3  }
0xc1: {  	[dreg:$0x1] =	wrdreg $0xFFFFFFFF  }
0xc2: {  	_ =	task.clear_ibuf [dreg:s7], $0x2FFFF;
	_ =	strace $0x9FFFFFFF  }
0xc3: {  	(tm) =	ssettm $0x7FFFFFFF  }
tec
execute0_lowered:
.L_overlay_start_1:
0x0: {  	(tag) =	ssettag $0x1  }
0x1: {  	s2 =	rddreg [dreg:$0x0]  }
0x2: {  	s0 =	rddreg [dreg:$0x1]  }
0x3: {  	s3 =	rddreg [dreg:$0x2];
	s17 =	stileid.u32  }
0x4: {  	s1 =	srdreg.scid;
	s4 =	simm.s32 $0x0;
	s16 =	simm.s32 $0x5  }
0x5: {  	s18 =	simm.s32 $0x5500;
	s19 =	simm.s32 $0x9500;
	s20 =	simm.s32 $0x1  }
0x6: {  	s21 =	simm.s32 $0x2A80;
	s28 =	simm.s32 $0x200;
	s5 =	smul.u32 $0x2710, s17  }
0x7: {  	s1 =	sand.u32 $0x1, s1;
	[smem:$0x7FF] =	sst s4;
	s11 =	smul.u32 $0x2400, s17  }
0x8: {  	s7 =	sadd.s32 $0x1A00, s0;
	s23 =	sshll.u32 s17, $0x6;
	s25 =	smul.u32 $0x2A00, s17  }
0x9: {  	s26 =	smul.u32 $0x540, s17;
	s13 =	sshll.u32 s17, $0x4;
	p1 =	sgt.u32 s17, $0x3  }
0xa: {  	s17 =	simm.s32 $0x400;
	s6 =	smul.u32 $0x27100, s1;
	_ =	strace $0x8000004A  }
0xb: {  	s9 =	ssub.s32 $0x2, s1;
	s29 =	sadd.s32 s13, s7;
	p0 =	sne.s32 s1, $0x0  }
0xc: {  	s8 =	sshrl.u32 s5, $0x3;
	s10 =	sshrl.u32 s9, $0x1;
	s22 =	sadd.s32 s5, s3  }
0xd: {  	s24 =	sshrl.u32 s11, $0x3;
	s11 =	sshrl.u32 s25, $0x3;
	s30 =	sadd.s32 $0x9C00, s29  }
0xe: {  	s31 =	sadd.s32 $0x13840, s29;
	s25 =	simm.s32 $0x4A80;
	s8 =	sadd.s32 s8, s0  }
0xf: {  	s6 =	sadd.s32 s5, s6;
	s9 =	ssub.s32 s9, s10;
	[dreg:$0x7] =	wrdreg s30  }
0x10: {  	[dreg:$0x8] =	wrdreg s31;
	s15 =	sshrl.u32 s22, $0x3;
	s22 =	simm.s32 $0x3  }
0x11: {  	s10 =	simm.s32 $0x4280;
	s6 =	sshrl.u32 s6, $0x3;
	s5 =	sadd.s32 $0x15400, s8  }
0x12: {  	s8 =	sadd.s32 s7, s24;
	s14 =	smax.u32 s9, $0x1;
	s24 =	simm.s32 $0x2  }
0x13: {  	s9 =	simm.s32 $0x1C00;
	s0 =	sadd.s32 s6, s0;
	s12 =	sadd.s32 $0x5400, s8  }
.Ltmp0:
0x14: {  	s8 =	sadd.s32 $0xF040, s8;
	[dreg:$0x4] =	wrdreg s12;
	(pc) =	sbr.rel .LBB2_1-.Ltmp0, $4  }
0x15: {  	s6 =	sor.u32 $0x1C05, s23;
	s23 =	simm.s32 $0x4680;
	[dreg:$0x5] =	wrdreg s8  }
0x16: {  	s12 =	sadd.s32 s7, s26;
	s7 =	sadd.s32 s7, s11;
	s13 =	sadd.s32 $0x1A400, s0  }
0x17: {  	s26 =	simm.s32 $0x4;
	s8 =	simm.s32 $0x3E80;
	[dreg:$0x6] =	wrdreg s12  }
0x18: {  	s11 =	sadd.s32 $0x9C40, s7;
	s7 =	simm.s32 $0x1800;
	s12 =	simm.s32 $0x2000  }
.LBB2_2:
0x19: {  	s0 =	rddreg [dreg:$0x6]  }
0x1a: {  	[tilespmem:s4], [sflag:$0x5] =	stream.linear.gather [hbm4b:s0+s4], $0x2A00, $0x38;
	[tilespmem:$0xFC10] =	vst v63  }
0x1b: {  	_ =	swait.ge [sflag:s16], $0x2A00  }
0x1c: {  	[sflag:s16] =	ssyncset.done $0x0  }
0x1d: {  	s29 =	simm.s32 @p1 $0x0;
	s30 =	simm.s32 @p1 $0x2A80;
	[sflag:s16] =	ssyncadd.s32 $0xFFFFD600  }
0x1e: {  	[tilespmem:s30], [sflag:$0x5] =	stream.linear.gather @p1 [hbm4b:s11+s29], $0x2A00, $0x38;
	[tilespmem:$0xFC10] =	vst v63  }
0x1f: {  	s29 =	simm.s32 @p1 $0x5  }
0x20: {  	_ =	swait.ge @p1 [sflag:s29], $0x2A00  }
0x21: {  	s0 =	simm.s32 @!p1 $0x0;
	s30 =	simm.s32 @!p1 $0x2A00;
	[sflag:s29] =	ssyncset.done @p1 $0x0  }
0x22: {  	s1 =	rddreg [dreg:$0x7];
	[sflag:s29] =	ssyncadd.s32 @p1 $0xFFFFD600;
	s29 =	simm.s32 @!p1 $0x5  }
0x23: {  	[tilespmem:s30], [sflag:$0x5] =	stream.linear.gather @!p1 [hbm4b:s1+s0], $0x80, $0x38;
	[tilespmem:$0xFC10] =	vst v63  }
0x24: {  	_ =	swait.ge @!p1 [sflag:s29], $0x80  }
0x25: {  	[sflag:s29] =	ssyncset.done @!p1 $0x0  }
0x26: {  	s31 =	simm.s32 @!p1 $0x2A80;
	[sflag:s29] =	ssyncadd.s32 @!p1 $0xFFFFFF80  }
0x27: {  	[tilespmem:s31], [sflag:$0x5] =	stream.linear.gather @!p1 [hbm4b:s11+s0], $0x2A00, $0x38;
	[tilespmem:$0xFC10] =	vst v63  }
0x28: {  	_ =	swait.ge @!p1 [sflag:s29], $0x2A00  }
0x29: {  	[sflag:s29] =	ssyncset.done @!p1 $0x0  }
0x2a: {  	s31 =	simm.s32 @!p1 $0x5480;
	s1 =	rddreg [dreg:$0x8];
	[sflag:s29] =	ssyncadd.s32 @!p1 $0xFFFFD600  }
0x2b: {  	[tilespmem:s31], [sflag:$0x5] =	stream.linear.gather @!p1 [hbm4b:s1+s0], $0x80, $0x38;
	[tilespmem:$0xFC10] =	vst v63  }
0x2c: {  	_ =	swait.ge @!p1 [sflag:s29], $0x80  }
0x2d: {  	[sflag:s29] =	ssyncset.done @!p1 $0x0  }
0x2e: {  	[sflag:s29] =	ssyncadd.s32 @!p1 $0xFFFFFF80  }
0x2f: {  	[bflag:$0x0] =	sbarrier.arrive $0xFFFF  }
0x30: {  	[tilespmem:s18], [sflag:$0x1] =	stream.indirect.gather [hbm4b:s2+s17], $0x10, s4, s17, $0xb8;
	[tilespmem:$0xFC10] =	vst v63  }
0x31: {  	_ = 	snop  }
0x32: {  	[tilespmem:s19], [sflag:$0x2] =	stream.indirect.gather [hbm4b:s2+s17], $0x10, s17, s17, $0xb8;
	[tilespmem:$0xFC10] =	vst v63  }
0x33: {  	_ =	swait.ge [sflag:s20], $0x4000  }
0x34: {  	[sflag:s20] =	ssyncset.done $0x0  }
0x35: {  	[sflag:s20] =	ssyncadd.s32 $0xFFFFC000  }
0x36: {  	[spmem:s3] =	stream.indirect.scatter.add.f32 [tilespmem:s18], [sflag:$0x3], $0x10, s21, s17, $0xb8;
	[tilespmem:$0xFC10] =	vst v63  }
0x37: {  	_ =	swait.ge [sflag:s22], $0x4000  }
0x38: {  	[sflag:s22] =	ssyncset.done $0x0  }
0x39: {  	s1 =	simm.s32 $0x800;
	[sflag:s22] =	ssyncadd.s32 $0xFFFFC000  }
0x3a: {  	[tilespmem:s18], [sflag:$0x1] =	stream.indirect.gather [hbm4b:s2+s17], $0x10, s1, s17, $0xb8;
	[tilespmem:$0xFC10] =	vst v63  }
0x3b: {  	_ =	swait.ge [sflag:s24], $0x4000  }
0x3c: {  	[sflag:s24] =	ssyncset.done $0x0  }
0x3d: {  	s1 =	simm.s32 $0x2E80;
	[sflag:s24] =	ssyncadd.s32 $0xFFFFC000  }
0x3e: {  	[spmem:s3] =	stream.indirect.scatter.add.f32 [tilespmem:s19], [sflag:$0x4], $0x10, s1, s17, $0xb8;
	[tilespmem:$0xFC10] =	vst v63  }
0x3f: {  	_ =	swait.ge [sflag:s26], $0x4000  }
0x40: {  	[sflag:s26] =	ssyncset.done $0x0  }
0x41: {  	s1 =	simm.s32 $0xC00;
	[sflag:s26] =	ssyncadd.s32 $0xFFFFC000  }
0x42: {  	[tilespmem:s19], [sflag:$0x2] =	stream.indirect.gather [hbm4b:s2+s17], $0x10, s1, s17, $0xb8;
	[tilespmem:$0xFC10] =	vst v63  }
0x43: {  	_ =	swait.ge [sflag:s20], $0x4000  }
0x44: {  	[sflag:s20] =	ssyncset.done $0x0  }
0x45: {  	s1 =	simm.s32 $0x3280;
	[sflag:s20] =	ssyncadd.s32 $0xFFFFC000  }
0x46: {  	[spmem:s3] =	stream.indirect.scatter.add.f32 [tilespmem:s18], [sflag:$0x3], $0x10, s1, s17, $0xb8;
	[tilespmem:$0xFC10] =	vst v63  }
0x47: {  	_ =	swait.ge [sflag:s22], $0x4000  }
0x48: {  	[sflag:s22] =	ssyncset.done $0x0  }
0x49: {  	s1 =	simm.s32 $0x1000;
	[sflag:s22] =	ssyncadd.s32 $0xFFFFC000  }
0x4a: {  	[tilespmem:s18], [sflag:$0x1] =	stream.indirect.gather [hbm4b:s2+s17], $0x10, s1, s17, $0xb8;
	[tilespmem:$0xFC10] =	vst v63  }
0x4b: {  	_ =	swait.ge [sflag:s24], $0x4000  }
0x4c: {  	[sflag:s24] =	ssyncset.done $0x0  }
0x4d: {  	s1 =	simm.s32 $0x3680;
	[sflag:s24] =	ssyncadd.s32 $0xFFFFC000  }
0x4e: {  	[spmem:s3] =	stream.indirect.scatter.add.f32 [tilespmem:s19], [sflag:$0x4], $0x10, s1, s17, $0xb8;
	[tilespmem:$0xFC10] =	vst v63  }
0x4f: {  	_ =	swait.ge [sflag:s26], $0x4000  }
0x50: {  	[sflag:s26] =	ssyncset.done $0x0  }
0x51: {  	s1 =	simm.s32 $0x1400;
	[sflag:s26] =	ssyncadd.s32 $0xFFFFC000  }
0x52: {  	[tilespmem:s19], [sflag:$0x2] =	stream.indirect.gather [hbm4b:s2+s17], $0x10, s1, s17, $0xb8;
	[tilespmem:$0xFC10] =	vst v63  }
0x53: {  	_ =	swait.ge [sflag:s20], $0x4000  }
0x54: {  	[sflag:s20] =	ssyncset.done $0x0  }
0x55: {  	s1 =	simm.s32 $0x3A80;
	[sflag:s20] =	ssyncadd.s32 $0xFFFFC000  }
0x56: {  	[spmem:s3] =	stream.indirect.scatter.add.f32 [tilespmem:s18], [sflag:$0x3], $0x10, s1, s17, $0xb8;
	[tilespmem:$0xFC10] =	vst v63  }
0x57: {  	_ =	swait.ge [sflag:s22], $0x4000  }
0x58: {  	[sflag:s22] =	ssyncset.done $0x0  }
0x59: {  	[sflag:s22] =	ssyncadd.s32 $0xFFFFC000  }
0x5a: {  	[tilespmem:s18], [sflag:$0x1] =	stream.indirect.gather [hbm4b:s2+s17], $0x10, s7, s17, $0xb8;
	[tilespmem:$0xFC10] =	vst v63  }
0x5b: {  	_ =	swait.ge [sflag:s24], $0x4000  }
0x5c: {  	[sflag:s24] =	ssyncset.done $0x0  }
0x5d: {  	[sflag:s24] =	ssyncadd.s32 $0xFFFFC000  }
0x5e: {  	[spmem:s3] =	stream.indirect.scatter.add.f32 [tilespmem:s19], [sflag:$0x4], $0x10, s8, s17, $0xb8;
	[tilespmem:$0xFC10] =	vst v63  }
0x5f: {  	_ =	swait.ge [sflag:s26], $0x4000  }
0x60: {  	[sflag:s26] =	ssyncset.done $0x0  }
0x61: {  	[sflag:s26] =	ssyncadd.s32 $0xFFFFC000  }
0x62: {  	[tilespmem:s19], [sflag:$0x2] =	stream.indirect.gather [hbm4b:s2+s17], $0x10, s9, s17, $0xb8;
	[tilespmem:$0xFC10] =	vst v63  }
0x63: {  	_ =	swait.ge [sflag:s20], $0x4000  }
0x64: {  	[sflag:s20] =	ssyncset.done $0x0  }
0x65: {  	[sflag:s20] =	ssyncadd.s32 $0xFFFFC000  }
0x66: {  	[spmem:s3] =	stream.indirect.scatter.add.f32 [tilespmem:s18], [sflag:$0x3], $0x10, s10, s17, $0xb8;
	[tilespmem:$0xFC10] =	vst v63  }
0x67: {  	_ =	swait.ge [sflag:s22], $0x4000  }
0x68: {  	[sflag:s22] =	ssyncset.done $0x0  }
0x69: {  	[sflag:s22] =	ssyncadd.s32 $0xFFFFC000  }
0x6a: {  	[tilespmem:s18], [sflag:$0x1] =	stream.indirect.gather [hbm4b:s2+s17], $0x10, s12, s17, $0xb8;
	[tilespmem:$0xFC10] =	vst v63  }
0x6b: {  	_ =	swait.ge [sflag:s24], $0x4000  }
0x6c: {  	[sflag:s24] =	ssyncset.done $0x0  }
0x6d: {  	[sflag:s24] =	ssyncadd.s32 $0xFFFFC000  }
0x6e: {  	[spmem:s3] =	stream.indirect.scatter.add.f32 [tilespmem:s19], [sflag:$0x4], $0x10, s23, s17, $0xb8;
	[tilespmem:$0xFC10] =	vst v63  }
0x6f: {  	_ =	swait.ge [sflag:s26], $0x4000  }
0x70: {  	[sflag:s26] =	ssyncset.done $0x0  }
0x71: {  	s1 =	simm.s32 $0x2400;
	[sflag:s26] =	ssyncadd.s32 $0xFFFFC000  }
0x72: {  	[tilespmem:s19], [sflag:$0x2] =	stream.indirect.gather [hbm4b:s2+s17], $0x10, s1, s17, $0xb8;
	[tilespmem:$0xFC10] =	vst v63  }
0x73: {  	_ =	swait.ge [sflag:s20], $0x4000  }
0x74: {  	[sflag:s20] =	ssyncset.done $0x0  }
0x75: {  	[sflag:s20] =	ssyncadd.s32 $0xFFFFC000  }
0x76: {  	[spmem:s3] =	stream.indirect.scatter.add.f32 [tilespmem:s18], [sflag:$0x3], $0x10, s25, s17, $0xb8;
	[tilespmem:$0xFC10] =	vst v63  }
0x77: {  	_ =	swait.ge [sflag:s24], $0x4000  }
0x78: {  	[sflag:s24] =	ssyncset.done $0x0  }
0x79: {  	s1 =	simm.s32 $0x4E80;
	[sflag:s24] =	ssyncadd.s32 $0xFFFFC000  }
0x7a: {  	[spmem:s3] =	stream.indirect.scatter.add.f32 [tilespmem:s19], [sflag:$0x4], $0x10, s1, s17, $0xb8;
	[tilespmem:$0xFC10] =	vst v63  }
0x7b: {  	_ =	swait.ge [sflag:s22], $0x4000  }
0x7c: {  	[sflag:s22] =	ssyncset.done $0x0  }
0x7d: {  	[sflag:s22] =	ssyncadd.s32 $0xFFFFC000  }
0x7e: {  	_ =	swait.ge [sflag:s26], $0x4000  }
0x7f: {  	[sflag:s26] =	ssyncset.done $0x0  }
0x80: {  	s1 =	simm.s32 $0x2800;
	[sflag:s26] =	ssyncadd.s32 $0xFFFFC000  }
0x81: {  	[tilespmem:s18], [sflag:$0x5] =	stream.indirect.gather [hbm4b:s2+s28], $0x10, s1, s28, $0xb8;
	[tilespmem:$0xFC10] =	vst v63  }
0x82: {  	_ =	swait.ge [sflag:s16], $0x2000  }
0x83: {  	[sflag:s16] =	ssyncset.done $0x0  }
0x84: {  	s1 =	simm.s32 $0x5280;
	[sflag:s16] =	ssyncadd.s32 $0xFFFFE000  }
0x85: {  	[spmem:s3] =	stream.indirect.scatter.add.f32 [tilespmem:s18], [sflag:$0x5], $0x10, s1, s28, $0xb8;
	[tilespmem:$0xFC10] =	vst v63  }
0x86: {  	_ =	swait.ge [sflag:s16], $0x2000  }
0x87: {  	[sflag:s16] =	ssyncset.done $0x0  }
0x88: {  	s0 =	simm.s32 @!p1 $0x80;
	s1 =	simm.s32 @!p1 $0x5500;
	[sflag:s16] =	ssyncadd.s32 $0xFFFFE000  }
0x89: {  	[tilespmem:s1], [sflag:$0x5] =	stream.indirect.gather @!p1 [hbm4b:s2+s0], $0x10, s30, s0, $0xb8;
	[tilespmem:$0xFC10] =	vst v63  }
0x8a: {  	_ =	swait.ge @!p1 [sflag:s29], $0x800  }
0x8b: {  	[sflag:s29] =	ssyncset.done @!p1 $0x0  }
0x8c: {  	[sflag:s29] =	ssyncadd.s32 @!p1 $0xFFFFF800  }
0x8d: {  	[spmem:s3] =	stream.indirect.scatter.add.f32 @!p1 [tilespmem:s1], [sflag:$0x5], $0x10, s31, s0, $0xb8;
	[tilespmem:$0xFC10] =	vst v63  }
0x8e: {  	_ =	swait.ge @!p1 [sflag:s29], $0x800  }
0x8f: {  	[sflag:s29] =	ssyncset.done @!p1 $0x0  }
0x90: {  	[sflag:s29] =	ssyncadd.s32 @!p1 $0xFFFFF800  }
.LBB2_3:
0x91: {  	s14 =	sadd.s32 $0xFFFFFFFF, s14  }
0x92: {  	p2 =	sne.s32 s14, $0x0  }
.Ltmp1:
0x93: {  	[bflag:$0x0] =	sbarrier.arrive $0xFFFF;
	(pc) =	sbr.rel @!p2 .LBB2_4-.Ltmp1, $4  }
0x94: {  	[hbm:s13], [sflag:s6] =	dma.local [spmem:s15], $0x4E2  }
0x95: {  	_ =	swait.ge [sflag:s16], $0x4E2  }
0x96: {  	[sflag:s16] =	ssyncset.done $0x0  }
0x97: {  	[sflag:s16] =	ssyncadd.s32 $0xFFFFFB1E  }
.LBB2_1:
.Ltmp2:
0x98: {  	(pc) =	sbr.rel @!p0 .LBB2_2-.Ltmp2, $4  }
0x99: {  	[spmem:s15], [sflag:s6] =	dma.local [hbm:s5], $0x4E2  }
0x9a: {  	_ =	swait.ge [sflag:s16], $0x4E2  }
0x9b: {  	[sflag:s16] =	ssyncset.done $0x0  }
0x9c: {  	[sflag:s16] =	ssyncadd.s32 $0xFFFFFB1E  }
0x9d: {  	s0 =	rddreg [dreg:$0x4]  }
0x9e: {  	[tilespmem:s4], [sflag:$0x5] =	stream.linear.gather [hbm4b:s0+s4], $0x2400, $0x38;
	[tilespmem:$0xFC10] =	vst v63  }
0x9f: {  	_ =	swait.ge [sflag:s16], $0x2400  }
0xa0: {  	[sflag:s16] =	ssyncset.done $0x0  }
0xa1: {  	s31 =	rddreg [dreg:$0x5];
	[sflag:s16] =	ssyncadd.s32 $0xFFFFDC00  }
0xa2: {  	[tilespmem:s21], [sflag:$0x5] =	stream.linear.gather [hbm4b:s31+s4], $0x2400, $0x38;
	[tilespmem:$0xFC10] =	vst v63  }
0xa3: {  	_ =	swait.ge [sflag:s16], $0x2400  }
0xa4: {  	[sflag:s16] =	ssyncset.done $0x0  }
0xa5: {  	[sflag:s16] =	ssyncadd.s32 $0xFFFFDC00  }
0xa6: {  	[bflag:$0x0] =	sbarrier.arrive $0xFFFF  }
0xa7: {  	[tilespmem:s18], [sflag:$0x1] =	stream.indirect.gather [hbm4b:s2+s17], $0x10, s4, s17, $0xb8;
	[tilespmem:$0xFC10] =	vst v63  }
0xa8: {  	_ = 	snop  }
0xa9: {  	[tilespmem:s19], [sflag:$0x2] =	stream.indirect.gather [hbm4b:s2+s17], $0x10, s17, s17, $0xb8;
	[tilespmem:$0xFC10] =	vst v63  }
0xaa: {  	_ =	swait.ge [sflag:s20], $0x4000  }
0xab: {  	[sflag:s20] =	ssyncset.done $0x0  }
0xac: {  	[sflag:s20] =	ssyncadd.s32 $0xFFFFC000  }
0xad: {  	[spmem:s3] =	stream.indirect.scatter.add.f32 [tilespmem:s18], [sflag:$0x3], $0x10, s21, s17, $0xb8;
	[tilespmem:$0xFC10] =	vst v63  }
0xae: {  	_ =	swait.ge [sflag:s22], $0x4000  }
0xaf: {  	[sflag:s22] =	ssyncset.done $0x0  }
0xb0: {  	s1 =	simm.s32 $0x800;
	[sflag:s22] =	ssyncadd.s32 $0xFFFFC000  }
0xb1: {  	[tilespmem:s18], [sflag:$0x1] =	stream.indirect.gather [hbm4b:s2+s17], $0x10, s1, s17, $0xb8;
	[tilespmem:$0xFC10] =	vst v63  }
0xb2: {  	_ =	swait.ge [sflag:s24], $0x4000  }
0xb3: {  	[sflag:s24] =	ssyncset.done $0x0  }
0xb4: {  	s29 =	simm.s32 $0x2E80;
	[sflag:s24] =	ssyncadd.s32 $0xFFFFC000  }
0xb5: {  	[spmem:s3] =	stream.indirect.scatter.add.f32 [tilespmem:s19], [sflag:$0x4], $0x10, s29, s17, $0xb8;
	[tilespmem:$0xFC10] =	vst v63  }
0xb6: {  	_ =	swait.ge [sflag:s26], $0x4000  }
0xb7: {  	[sflag:s26] =	ssyncset.done $0x0  }
0xb8: {  	s30 =	simm.s32 $0xC00;
	[sflag:s26] =	ssyncadd.s32 $0xFFFFC000  }
0xb9: {  	[tilespmem:s19], [sflag:$0x2] =	stream.indirect.gather [hbm4b:s2+s17], $0x10, s30, s17, $0xb8;
	[tilespmem:$0xFC10] =	vst v63  }
0xba: {  	_ =	swait.ge [sflag:s20], $0x4000  }
0xbb: {  	[sflag:s20] =	ssyncset.done $0x0  }
0xbc: {  	s31 =	simm.s32 $0x3280;
	[sflag:s20] =	ssyncadd.s32 $0xFFFFC000  }
0xbd: {  	[spmem:s3] =	stream.indirect.scatter.add.f32 [tilespmem:s18], [sflag:$0x3], $0x10, s31, s17, $0xb8;
	[tilespmem:$0xFC10] =	vst v63  }
0xbe: {  	_ =	swait.ge [sflag:s22], $0x4000  }
0xbf: {  	[sflag:s22] =	ssyncset.done $0x0  }
0xc0: {  	s1 =	simm.s32 $0x1000;
	[sflag:s22] =	ssyncadd.s32 $0xFFFFC000  }
0xc1: {  	[tilespmem:s18], [sflag:$0x1] =	stream.indirect.gather [hbm4b:s2+s17], $0x10, s1, s17, $0xb8;
	[tilespmem:$0xFC10] =	vst v63  }
0xc2: {  	_ =	swait.ge [sflag:s24], $0x4000  }
0xc3: {  	[sflag:s24] =	ssyncset.done $0x0  }
0xc4: {  	s29 =	simm.s32 $0x3680;
	[sflag:s24] =	ssyncadd.s32 $0xFFFFC000  }
0xc5: {  	[spmem:s3] =	stream.indirect.scatter.add.f32 [tilespmem:s19], [sflag:$0x4], $0x10, s29, s17, $0xb8;
	[tilespmem:$0xFC10] =	vst v63  }
0xc6: {  	_ =	swait.ge [sflag:s26], $0x4000  }
0xc7: {  	[sflag:s26] =	ssyncset.done $0x0  }
0xc8: {  	s30 =	simm.s32 $0x1400;
	[sflag:s26] =	ssyncadd.s32 $0xFFFFC000  }
0xc9: {  	[tilespmem:s19], [sflag:$0x2] =	stream.indirect.gather [hbm4b:s2+s17], $0x10, s30, s17, $0xb8;
	[tilespmem:$0xFC10] =	vst v63  }
0xca: {  	_ =	swait.ge [sflag:s20], $0x4000  }
0xcb: {  	[sflag:s20] =	ssyncset.done $0x0  }
0xcc: {  	s31 =	simm.s32 $0x3A80;
	[sflag:s20] =	ssyncadd.s32 $0xFFFFC000  }
0xcd: {  	[spmem:s3] =	stream.indirect.scatter.add.f32 [tilespmem:s18], [sflag:$0x3], $0x10, s31, s17, $0xb8;
	[tilespmem:$0xFC10] =	vst v63  }
0xce: {  	_ =	swait.ge [sflag:s22], $0x4000  }
0xcf: {  	[sflag:s22] =	ssyncset.done $0x0  }
0xd0: {  	[sflag:s22] =	ssyncadd.s32 $0xFFFFC000  }
0xd1: {  	[tilespmem:s18], [sflag:$0x1] =	stream.indirect.gather [hbm4b:s2+s17], $0x10, s7, s17, $0xb8;
	[tilespmem:$0xFC10] =	vst v63  }
0xd2: {  	_ =	swait.ge [sflag:s24], $0x4000  }
0xd3: {  	[sflag:s24] =	ssyncset.done $0x0  }
0xd4: {  	[sflag:s24] =	ssyncadd.s32 $0xFFFFC000  }
0xd5: {  	[spmem:s3] =	stream.indirect.scatter.add.f32 [tilespmem:s19], [sflag:$0x4], $0x10, s8, s17, $0xb8;
	[tilespmem:$0xFC10] =	vst v63  }
0xd6: {  	_ =	swait.ge [sflag:s26], $0x4000  }
0xd7: {  	[sflag:s26] =	ssyncset.done $0x0  }
0xd8: {  	[sflag:s26] =	ssyncadd.s32 $0xFFFFC000  }
0xd9: {  	[tilespmem:s19], [sflag:$0x2] =	stream.indirect.gather [hbm4b:s2+s17], $0x10, s9, s17, $0xb8;
	[tilespmem:$0xFC10] =	vst v63  }
0xda: {  	_ =	swait.ge [sflag:s20], $0x4000  }
0xdb: {  	[sflag:s20] =	ssyncset.done $0x0  }
0xdc: {  	[sflag:s20] =	ssyncadd.s32 $0xFFFFC000  }
0xdd: {  	[spmem:s3] =	stream.indirect.scatter.add.f32 [tilespmem:s18], [sflag:$0x3], $0x10, s10, s17, $0xb8;
	[tilespmem:$0xFC10] =	vst v63  }
0xde: {  	_ =	swait.ge [sflag:s22], $0x4000  }
0xdf: {  	[sflag:s22] =	ssyncset.done $0x0  }
0xe0: {  	[sflag:s22] =	ssyncadd.s32 $0xFFFFC000  }
0xe1: {  	[tilespmem:s18], [sflag:$0x1] =	stream.indirect.gather [hbm4b:s2+s17], $0x10, s12, s17, $0xb8;
	[tilespmem:$0xFC10] =	vst v63  }
0xe2: {  	_ =	swait.ge [sflag:s24], $0x4000  }
0xe3: {  	[sflag:s24] =	ssyncset.done $0x0  }
0xe4: {  	[sflag:s24] =	ssyncadd.s32 $0xFFFFC000  }
0xe5: {  	[spmem:s3] =	stream.indirect.scatter.add.f32 [tilespmem:s19], [sflag:$0x4], $0x10, s23, s17, $0xb8;
	[tilespmem:$0xFC10] =	vst v63  }
0xe6: {  	_ =	swait.ge [sflag:s20], $0x4000  }
0xe7: {  	[sflag:s20] =	ssyncset.done $0x0  }
0xe8: {  	[sflag:s20] =	ssyncadd.s32 $0xFFFFC000  }
0xe9: {  	[spmem:s3] =	stream.indirect.scatter.add.f32 [tilespmem:s18], [sflag:$0x3], $0x10, s25, s17, $0xb8;
	[tilespmem:$0xFC10] =	vst v63  }
0xea: {  	_ =	swait.ge [sflag:s26], $0x4000  }
.Ltmp3:
0xeb: {  	[sflag:s26] =	ssyncset.done $0x0;
	(pc) =	sbr.rel .LBB2_3-.Ltmp3, $4  }
0xec: {  	[sflag:s26] =	ssyncadd.s32 $0xFFFFC000  }
0xed: {  	_ =	swait.ge [sflag:s22], $0x4000  }
0xee: {  	[sflag:s22] =	ssyncset.done $0x0  }
0xef: {  	[sflag:s22] =	ssyncadd.s32 $0xFFFFC000  }
.LBB2_4:
0xf0: {  	_ =	sfence.sel $0x180000  }
0xf1: {  	[bflag:$0x0] =	sbarrier.arrive $0xFFFF  }
0xf2: {  	_ =	strace $0x9000004A  }
0xf3: {  	s0 =	stileid.u32;
	[bflag:$0x2] =	sbarrier.arrive $0xFFFF  }
0xf4: {  	p0 =	sne.s32 s0, $0x0;
	s0 =	rddreg [dreg:$0x3]  }
0xf5: {  	s0 =	sadd.s32 @!p0 $0x100000, s0  }
0xf6: {  	[sflag:s0] =	ssyncadd.tile.s32 @!p0 $0x1;
	_ =	shalt  }
.Lfunc_end2:
_tile_overlayer_lowered:
.L_overlay_start_2:
0xf7: {  	(tag) =	ssettag $0x2  }
0xf8: {  	s0 =	rddreg [dreg:$0x0];
	s2 =	stileid.u32  }
0xf9: {  	s1 =	rddreg [dreg:$0x1];
	p0 =	sne.s32 s2, $0x0  }
0xfa: {  	s3 =	rddreg [dreg:$0x2];
	[bflag:$0x3] =	sbarrier.arrive $0xFFFF;
	s2 =	simm.s32 @!p0 $0x1C05  }
0xfb: {  	[timem:s3], [sflag:s2] =	dma.local @!p0 [hbm:s0], s1  }
0xfc: {  	s0 =	simm.s32 @!p0 $0x5  }
0xfd: {  	_ =	swait.ge @!p0 [sflag:s0], s1  }
0xfe: {  	s1 =	ssub.s32 @!p0 $0x0, s1;
	[sflag:s0] =	ssyncset.done @!p0 $0x0  }
0xff: {  	[sflag:s0] =	ssyncadd.s32 @!p0 s1  }
0x100: {  	[bflag:$0x3] =	sbarrier.arrive $0xFFFF  }
0x101: {  	_ =	shalt  }

// kernel: kernel.7.cloned.1.call-start
scs
__scs_entry_jumppad:
0x0: {  	(pc) =	sbr.rel $0x88, $3  }
0x1: {  	(tag) =	ssettag $0x0;
	lr =	simm.s32 $0x1  }
0x2: {  	[smem:$0x3F9D] =	sst lr;
	_ =	strace $0xD0000000  }
0x3: {  	_ = 	snop  }
0x4: {  	_ = 	snop  }
0x5: {  	_ = 	snop  }
0x6: {  	_ = 	snop  }
0x7: {  	_ = 	snop  }
__scs_overlays_trampoline_lowered:
0x8: {  	[smem:$0x3FAC] =	sst s0  }
0x9: {  	[smem:$0x3FAD] =	sst s1  }
0xa: {  	[smem:$0x3FAE] =	sst s2  }
0xb: {  	[smem:$0x3FAF] =	sst s3  }
0xc: {  	[smem:$0x3FB0] =	sst s4  }
0xd: {  	[smem:$0x3FB1] =	sst s5  }
0xe: {  	[smem:$0x3FB2] =	sst s6  }
0xf: {  	[smem:$0x3FB3] =	sst s7  }
0x10: {  	[smem:$0x3FB4] =	sst s8  }
0x11: {  	[smem:$0x3FB5] =	sst s9;
	s0 =	simm.s32 @!p0 $0x0  }
0x12: {  	s1 =	sld [smem:$0x3F9B];
	s0 =	simm.s32 @p0 $0x1  }
0x13: {  	[smem:$0x3FB6] =	sst s0;
	s0 =	simm.s32 @!p1 $0x0  }
0x14: {  	s2 =	sld [smem:$0x3F9A];
	s0 =	simm.s32 @p1 $0x1  }
0x15: {  	[smem:$0x3FB7] =	sst s0;
	s0 =	simm.s32 @!p2 $0x0  }
0x16: {  	s3 =	sld [smem:$0x3FDB];
	s0 =	simm.s32 @p2 $0x1  }
0x17: {  	s4 =	simm.s32 $0x1BF5;
	[smem:$0x3FB9] =	sst s0  }
0x18: {  	s0 =	sld [smem:$0x3F9C];
	_ =	swait.ge [sflag:s4], $0x0  }
0x19: {  	s7 =	sld [smem:$0x3F9D]  }
0x1a: {  	s8 =	sadd.s32 $0xFFFFE003, lr  }
0x1b: {  	s9 =	sadd.s32 $0xFFFFFEF7, lr;
	s5 =	simm.s32 $0xFFFFFFFF;
	p2 =	slt.u32 s8, $0xFFFFF086  }
0x1c: {  	p1 =	slt.u32 s9, $0xF7A;
	s5 =	simm.s32 @!p2 $0x0  }
0x1d: {  	s5 =	simm.s32 @p1 $0x1;
	p0 =	seq.s32 s7, s2  }
0x1e: {  	s7 =	smul.u32 @!p0 $0xF7A, s2;
	p2 =	seq.s32 @!p0 s5, $0x0  }
0x1f: {  	s9 =	smul.u32 $0xF7A, s1;
	s8 =	simm.s32 @!p0 $0x1BF5;
	p2 =	por !p2, p0  }
0x20: {  	[sflag:s8] =	ssyncset.s32 @!p0 $0xFFFFF086;
	s6 =	sadd.s32 @!p0 s3, s7;
	s7 =	simm.s32 @!p0 $0x108  }
0x21: {  	s3 =	sadd.s32 s3, s9;
	s6 =	sadd.s32 @!p0 $0x88, s6;
	s7 =	simm.s32 @p2 $0x1082  }
0x22: {  	[simem:s7], [sflag:s8] =	dma.local @!p0 [hbm:s6], $0xF7A  }
0x23: {  	s9 =	sor.u32 $0xD0000000, s2;
	s6 =	simm.s32 $0x108;
	_ =	swait.ge @!p0 [sflag:s8], $0x0  }
0x24: {  	s3 =	sadd.s32 $0x88, s3;
	s6 =	simm.s32 @!p1 $0x1082;
	[sflag:s4] =	ssyncset.s32 $0xFFFFF086  }
0x25: {  	[simem:s6], [sflag:s4] =	dma.local [hbm:s3], $0xF7A  }
0x26: {  	[smem:$0x3F9D] =	sst s1;
	(tag) =	ssettag s2;
	_ =	strace s9  }
0x27: {  	s1 =	sld [smem:$0x3FAD]  }
0x28: {  	s2 =	sld [smem:$0x3FAE]  }
0x29: {  	s4 =	sld [smem:$0x3FB0]  }
0x2a: {  	p0 =	seq.s32 s5, $0x0;
	s5 =	sld [smem:$0x3FB1]  }
0x2b: {  	s6 =	sld [smem:$0x3FB2]  }
0x2c: {  	s7 =	sld [smem:$0x3FB3]  }
0x2d: {  	s3 =	simm.s32 $0x108;
	s8 =	sld [smem:$0x3FB4]  }
0x2e: {  	s3 =	simm.s32 @!p0 $0x1082;
	s9 =	sld [smem:$0x3FB5]  }
0x2f: {  	lr =	sadd.s32 s0, s3;
	s0 =	sld [smem:$0x3FAC]  }
0x30: {  	s3 =	sld [smem:$0x3FAF]  }
0x31: {  	[smem:$0x3FB8] =	sst s10  }
0x32: {  	s10 =	sld [smem:$0x3FB6];
	_ =	sdelay $0x3  }
0x33: {  	p0 =	seq.s32 s10, $0x1;
	s10 =	sld [smem:$0x3FB8];
	_ =	sdelay $0x3  }
0x34: {  	[smem:$0x3FB8] =	sst s10  }
0x35: {  	s10 =	sld [smem:$0x3FB7];
	_ =	sdelay $0x3  }
0x36: {  	p1 =	seq.s32 s10, $0x1;
	s10 =	sld [smem:$0x3FB8];
	_ =	sdelay $0x3  }
0x37: {  	[smem:$0x3FB8] =	sst s10  }
0x38: {  	s10 =	sld [smem:$0x3FB9]  }
0x39: {  	_ = 	snop;
	(pc) =	sbr.ind lr, $3  }
0x3a: {  	_ = 	snop  }
0x3b: {  	_ = 	snop  }
0x3c: {  	p2 =	seq.s32 s10, $0x1;
	s10 =	sld [smem:$0x3FB8]  }
0x3d: {  	_ =	shalt  }
0x3e: {  	_ =	shalt  }
0x3f: {  	_ =	shalt  }
0x40: {  	_ =	shalt  }
0x41: {  	_ =	shalt  }
0x42: {  	_ =	shalt  }
0x43: {  	_ =	shalt  }
0x44: {  	_ =	shalt  }
0x45: {  	_ =	shalt  }
0x46: {  	_ =	shalt  }
0x47: {  	_ =	shalt  }
0x48: {  	_ =	shalt  }
0x49: {  	_ =	shalt  }
0x4a: {  	_ =	shalt  }
0x4b: {  	_ =	shalt  }
0x4c: {  	_ =	shalt  }
0x4d: {  	_ =	shalt  }
0x4e: {  	_ =	shalt  }
0x4f: {  	_ =	shalt  }
0x50: {  	_ =	shalt  }
0x51: {  	_ =	shalt  }
0x52: {  	_ =	shalt  }
0x53: {  	_ =	shalt  }
0x54: {  	_ =	shalt  }
0x55: {  	_ =	shalt  }
0x56: {  	_ =	shalt  }
0x57: {  	_ =	shalt  }
0x58: {  	_ =	shalt  }
0x59: {  	_ =	shalt  }
0x5a: {  	_ =	shalt  }
0x5b: {  	_ =	shalt  }
0x5c: {  	_ =	shalt  }
0x5d: {  	_ =	shalt  }
0x5e: {  	_ =	shalt  }
0x5f: {  	_ =	shalt  }
0x60: {  	_ =	shalt  }
0x61: {  	_ =	shalt  }
0x62: {  	_ =	shalt  }
0x63: {  	_ =	shalt  }
0x64: {  	_ =	shalt  }
0x65: {  	_ =	shalt  }
0x66: {  	_ =	shalt  }
0x67: {  	_ =	shalt  }
0x68: {  	_ =	shalt  }
0x69: {  	_ =	shalt  }
0x6a: {  	_ =	shalt  }
0x6b: {  	_ =	shalt  }
0x6c: {  	_ =	shalt  }
0x6d: {  	_ =	shalt  }
0x6e: {  	_ =	shalt  }
0x6f: {  	_ =	shalt  }
0x70: {  	_ =	shalt  }
0x71: {  	_ =	shalt  }
0x72: {  	_ =	shalt  }
0x73: {  	_ =	shalt  }
0x74: {  	_ =	shalt  }
0x75: {  	_ =	shalt  }
0x76: {  	_ =	shalt  }
0x77: {  	_ =	shalt  }
0x78: {  	_ =	shalt  }
0x79: {  	_ =	shalt  }
0x7a: {  	_ =	shalt  }
0x7b: {  	_ =	shalt  }
0x7c: {  	_ =	shalt  }
0x7d: {  	_ =	shalt  }
0x7e: {  	_ =	shalt  }
0x7f: {  	_ =	shalt  }
0x80: {  	_ =	shalt  }
0x81: {  	_ =	shalt  }
0x82: {  	_ =	shalt  }
0x83: {  	_ =	shalt  }
0x84: {  	_ =	shalt  }
0x85: {  	_ =	shalt  }
0x86: {  	_ =	shalt  }
0x87: {  	_ =	shalt  }
.Lfunc_end0:
.L_simem_size_0:
called_computation_lowered:
.L_overlay_start_0:
0x88: {  	s2 =	sld [smem:$0x3FD9]  }
0x89: {  	s3 =	sld [smem:$0x3FFE];
	_ =	sdelay $0x1  }
0x8a: {  	s1 =	srdreg.scid  }
0x8b: {  	s0 =	sand.u32 $0x1, s1  }
0x8c: {  	s17 =	sshll.u32 s0, $0xA;
	s2 =	sadd.s32 s3, s2  }
0x8d: {  	s2 =	sadd.s32 s2, s17  }
0x8e: {  	[smem:$0x3FC4] =	sst s2  }
0x8f: {  	_ = 	snop  }
0x90: {  	s2 =	sld [smem:$0x3FD0];
	(tm) =	ssettm $0x1  }
0x91: {  	s18 =	sld [smem:$0x3FFB];
	_ =	sdelay $0x3  }
0x92: {  	_ =	strace s18  }
0x93: {  	s3 =	sld [smem:$0x3FFC];
	_ =	sdelay $0x3  }
0x94: {  	_ =	strace s3  }
0x95: {  	s3 =	sld [smem:$0x3FFD];
	_ =	sdelay $0x3  }
0x96: {  	_ =	strace s3  }
0x97: {  	_ =	strace $0x8FFFFFFF  }
0x98: {  	s19 =	sld [smem:$0x3FDB];
	_ =	sdelay $0x1  }
0x99: {  	s4 =	simm.s32 $_scs_section_size  }
0x9a: {  	s5 =	simm.s32 $_size__tile_overlayer_lowered;
	s6 =	simm.s32 $_tile_overlayer_lowered  }
0x9b: {  	s22 =	simm.s32 $0x1BFF;
	s21 =	sshll.u32 s6, $0x1;
	s3 =	sadd.s32 s4, s19  }
0x9c: {  	s7 =	simm.s32 $0x0;
	s20 =	sshll.u32 s5, $0x1;
	s5 =	sadd.s32 s21, s3  }
0x9d: {  	[timem:s7], [sflag:s22] =	dma.local [hbm:s5], s20  }
0x9e: {  	_ =	swait.ge [sflag:s22], s20  }
0x9f: {  	s4 =	ssub.s32 $0x0, s20;
	[sflag:s22] =	ssyncset.done $0x0  }
0xa0: {  	[sflag:s22] =	ssyncadd.s32 s4;
	_ =	sdelay $0x1  }
0xa1: {  	s23 =	simm.s32 $0x1B8B  }
0xa2: {  	_ =	swait.ge [sflag:s23], $0x1  }
0xa3: {  	[sflag:s23] =	ssyncset.done $0x0  }
0xa4: {  	s25 =	simm.s32 $0x1B8E;
	s24 =	sld [smem:$0x3FFE];
	[sflag:s23] =	ssyncadd.s32 $0xFFFFFFFF  }
0xa5: {  	s26 =	simm.s32 $execute0_lowered;
	[smem:$0x3FD2] =	sst s25  }
0xa6: {  	s5 =	sshll.u32 s26, $0x1;
	_ =	strace $0x80000046;
	[dreg:$0x1] =	wrdreg $0xFFFFFFFF  }
0xa7: {  	s28 =	simm.s32 $_size_execute0_lowered;
	s3 =	sadd.s32 s3, s5;
	[dreg:$0x0] =	wrdreg $0x0  }
0xa8: {  	s5 =	sshll.u32 s28, $0x1;
	[dreg:$0x2] =	wrdreg s3  }
0xa9: {  	[dreg:$0x3] =	wrdreg s5  }
0xaa: {  	[dreg:$0x4] =	wrdreg $0xC0  }
0xab: {  	_ =	task [dreg:s7], $0x5FFFF  }
0xac: {  	[dreg:$0x1] =	wrdreg $0xFFFFFFFF  }
0xad: {  	[dreg:$0x0] =	wrdreg $0x60  }
0xae: {  	[dreg:$0x2] =	wrdreg s24  }
0xaf: {  	[dreg:$0x3] =	wrdreg s2  }
0xb0: {  	[dreg:$0x4] =	wrdreg $0x8DF00  }
0xb1: {  	[dreg:$0x5] =	wrdreg $0x9  }
0xb2: {  	_ =	task.clear_ibuf [dreg:s7], $0x6FFFF;
	_ =	strace $0x90000046  }
0xb3: {  	s29 =	simm.s32 $0x9;
	_ =	strace $0x80000048  }
0xb4: {  	_ =	swait.ge [sflag:s29], $0x1  }
0xb5: {  	[sflag:s29] =	ssyncadd.s32 $0xFFFFFFFF  }
0xb6: {  	_ =	strace $0x90000048  }
0xb7: {  	_ =	sfence  }
0xb8: {  	s30 =	sld [smem:$0x0];
	_ =	sdelay $0x2  }
0xb9: {  	s31 =	sshll.u32 s1, $0xD;
	s1 =	sshrl.u32 s1, $0x2  }
0xba: {  	s3 =	sand.u32 $0x4000, s31;
	s1 =	sadd.s32 s1, s30  }
0xbb: {  	s0 =	sor.u32 s3, s0;
	s1 =	sshll.u32 s1, $0x11  }
0xbc: {  	s0 =	sor.u32 s1, s0  }
0xbd: {  	s0 =	sadd.s32 $0x8F2B, s0  }
0xbe: {  	[sflag:s0] =	ssyncadd.remote.s32 $0x1  }
0xbf: {  	_ =	sfence.sel $0xFFFF  }
0xc0: {  	[dreg:$0x0] =	wrdreg $0xFFFFFFFF;
	(pc) =	sbr.abs _section_cstart, $3  }
0xc1: {  	[dreg:$0x1] =	wrdreg $0xFFFFFFFF  }
0xc2: {  	_ =	task.clear_ibuf [dreg:s7], $0x2FFFF;
	_ =	strace $0x9FFFFFFF  }
0xc3: {  	(tm) =	ssettm $0x7FFFFFFF  }
tec
execute0_lowered:
.L_overlay_start_1:
0x0: {  	(tag) =	ssettag $0x1  }
0x1: {  	s5 =	rddreg [dreg:$0x0]  }
0x2: {  	s2 =	rddreg [dreg:$0x1]  }
0x3: {  	s0 =	srdreg.scid;
	s3 =	rddreg [dreg:$0x2]  }
0x4: {  	s4 =	simm.s32 $0x0;
	s13 =	simm.s32 $0x4E20;
	s14 =	simm.s32 $0x80  }
0x5: {  	s15 =	simm.s32 $0x76A0;
	s16 =	simm.s32 $0x5620;
	s17 =	simm.s32 $0x7720  }
0x6: {  	s18 =	simm.s32 $0x5E20;
	s19 =	simm.s32 $0x77A0;
	s20 =	simm.s32 $0x6620  }
0x7: {  	s21 =	simm.s32 $0x7820;
	s22 =	simm.s32 $0x6E20;
	s23 =	simm.s32 $0x79F0  }
0x8: {  	v0 =	vlaneseq.u32;
	s24 =	simm.s32 $0x0;
	s6 =	sand.u32 $0x1, s0;
	s0 =	stileid.u32  }
0x9: {  	[smem:$0x7FF] =	sst s4;
	v1 =	vand.u32 $0x7, v0;
	s1 =	sshll.u32 s6, $0x4;
	s9 =	smul.u32 $0x4E20, s0  }
0xa: {  	v3 =	vshrl.u32 v0, $0x3;
	s6 =	ssub.s32 $0x2, s6;
	s10 =	smul.u32 $0x280, s0;
	v0 =	vmul.u32 $0x10, v1;
	s7 =	sor.u32 s0, s1  }
0xb: {  	v2 =	vimm.f32 $1.000000000e+00;
	v1 =	vimm.f32 $0.0e+00;
	v3 =	vmul.u32 $0x80, v3;
	s1 =	rddreg [dreg:$0x3];
	_ =	strace $0x80000047;
	s8 =	smul.u32 $0x280, s7  }
0xc: {  	s11 =	sshrl.u32 s6, $0x1;
	s9 =	sshrl.u32 s9, $0x3;
	s7 =	smul.u32 $0x500, s7;
	v4 =	vor.u32 $0x1, v0;
	v5 =	vor.u32 $0x2, v0;
	v6 =	vor.u32 $0x3, v0  }
0xd: {  	s11 =	ssub.s32 s6, s11;
	s6 =	sadd.s32 s10, s3;
	v7 =	vor.u32 $0x4, v0;
	v8 =	vor.u32 $0x5, v0;
	v9 =	vor.u32 $0x6, v0;
	s12 =	sadd.s32 s8, s5  }
0xe: {  	v10 =	vor.u32 $0x7, v0;
	v11 =	vor.u32 $0x8, v0;
	v12 =	vor.u32 $0x9, v0;
	s5 =	sadd.s32 s5, s9;
	s31 =	sshrl.u32 s7, $0x2;
	s7 =	sadd.s32 $0x4E20, s10  }
0xf: {  	v13 =	vor.u32 $0xA, v0;
	v14 =	vor.u32 $0xB, v0;
	v15 =	vor.u32 $0xC, v0;
	s10 =	smax.u32 s11, $0x1;
	s11 =	simm.s32 $0x1;
	s5 =	sadd.s32 $0xB640, s5  }
0x10: {  	v16 =	vor.u32 $0xD, v0;
	v17 =	vor.u32 $0xE, v0;
	v18 =	vor.u32 $0xF, v0;
	s8 =	sadd.s32 s31, s3;
	s9 =	sadd.s32 $0x15400, s12;
	s12 =	simm.s32 $0x7620  }
.LBB2_1:
0x11: {  	[tilespmem:s4], [sflag:$0x1] =	stream.linear.gather [hbm4b:s5+s4], $0x4E20, $0x38;
	[tilespmem:$0x9070] =	vst v63  }
0x12: {  	_ =	swait.ge [sflag:s11], $0x4E20  }
0x13: {  	[sflag:s11] =	ssyncset.done $0x0  }
0x14: {  	[sflag:s11] =	ssyncadd.s32 $0xFFFFB1E0  }
0x15: {  	[tilespmem:s12], [sflag:$0x1] =	stream.linear.gather [hbm4b:s2+s4], $0x280, $0x38;
	[tilespmem:$0x9070] =	vst v63  }
0x16: {  	_ =	swait.ge [sflag:s11], $0x280  }
0x17: {  	[sflag:s11] =	ssyncset.done $0x0  }
0x18: {  	s25 =	simm.s32 $0x40;
	s26 =	simm.s32 $0x0;
	[sflag:s11] =	ssyncadd.s32 $0xFFFFFD80  }
.LBB2_2:
0x19: {  	p0 =	sne.s32 s25, $0x9FC0;
	[tilespmem:s26+$0x4E20] =	vst v1;
	s26 =	smov.u32 s25;
	s25 =	sadd.s32 $0x40, s25  }
.Ltmp0:
0x1a: {  	(pc) =	sbr.rel @p0 .LBB2_2-.Ltmp0, $2  }
0x1b: {  	_ =	sdelay $0x2  }
0x1c: {  	s26 =	sshra.s32 s26, $0x2  }
0x1d: {  	[tilespmem:s26+$0x4E20] =	vst v1  }
0x1e: {  	[spmem:s6] =	stream.linear.scatter [tilespmem:s7], [sflag:$0x1], $0x280, $0x38;
	[tilespmem:$0x9070] =	vst v63  }
0x1f: {  	_ =	swait.ge [sflag:s11], $0x280  }
0x20: {  	[sflag:s11] =	ssyncset.done $0x0  }
0x21: {  	[sflag:s11] =	ssyncadd.s32 $0xFFFFFD80  }
0x22: {  	s26 =	simm.s32 $0x0;
	s25 =	simm.s32 $0x40;
	[bflag:$0x0] =	sbarrier.arrive $0xFFFF  }
.LBB2_4:
0x23: {  	p0 =	sne.s32 s25, $0x13840;
	v19 =	vld [tilespmem:s26+$0x0];
	_ =	sdelay $0x3  }
.Ltmp1:
0x24: {  	(pc) =	sbr.rel @p0 .LBB2_4-.Ltmp1, $2  }
0x25: {  	_ =	sdelay $0x2  }
0x26: {  	s26 =	sshra.s32 s25, $0x2;
	s25 =	sadd.s32 $0x40, s25;
	[tilespmem:v19+s13+$0x0] =	vst.idx.add.f32.msk $0xffff, v2  }
0x27: {  	v19 =	vld [tilespmem:s26+$0x0];
	_ =	sdelay $0x7  }
0x28: {  	[tilespmem:v19+s13+$0x0] =	vst.idx.add.f32.msk $0xffff, v2  }
0x29: {  	[spmem:s3] =	stream.indirect.scatter.add.f32 [tilespmem:s13], [sflag:$0x1], $0x10, s12, s14, $0xb8;
	[tilespmem:$0x9070] =	vst v63  }
0x2a: {  	_ =	swait.ge [sflag:s11], $0x800  }
0x2b: {  	[sflag:s11] =	ssyncset.done $0x0  }
0x2c: {  	[sflag:s11] =	ssyncadd.s32 $0xFFFFF800  }
0x2d: {  	[spmem:s3] =	stream.indirect.scatter.add.f32 [tilespmem:s16], [sflag:$0x1], $0x10, s15, s14, $0xb8;
	[tilespmem:$0x9070] =	vst v63  }
0x2e: {  	_ =	swait.ge [sflag:s11], $0x800  }
0x2f: {  	[sflag:s11] =	ssyncset.done $0x0  }
0x30: {  	[sflag:s11] =	ssyncadd.s32 $0xFFFFF800  }
0x31: {  	[spmem:s3] =	stream.indirect.scatter.add.f32 [tilespmem:s18], [sflag:$0x1], $0x10, s17, s14, $0xb8;
	[tilespmem:$0x9070] =	vst v63  }
0x32: {  	_ =	swait.ge [sflag:s11], $0x800  }
0x33: {  	[sflag:s11] =	ssyncset.done $0x0  }
0x34: {  	[sflag:s11] =	ssyncadd.s32 $0xFFFFF800  }
0x35: {  	[spmem:s3] =	stream.indirect.scatter.add.f32 [tilespmem:s20], [sflag:$0x1], $0x10, s19, s14, $0xb8;
	[tilespmem:$0x9070] =	vst v63  }
0x36: {  	_ =	swait.ge [sflag:s11], $0x800  }
0x37: {  	[sflag:s11] =	ssyncset.done $0x0  }
0x38: {  	[sflag:s11] =	ssyncadd.s32 $0xFFFFF800  }
0x39: {  	[spmem:s3] =	stream.indirect.scatter.add.f32 [tilespmem:s22], [sflag:$0x1], $0x10, s21, s14, $0xb8;
	[tilespmem:$0x9070] =	vst v63  }
0x3a: {  	_ =	swait.ge [sflag:s11], $0x800  }
0x3b: {  	[sflag:s11] =	ssyncset.done $0x0  }
0x3c: {  	[sflag:s11] =	ssyncadd.s32 $0xFFFFF800  }
0x3d: {  	s25 =	simm.s32 $0x78A0;
	[bflag:$0x0] =	sbarrier.arrive $0xFFFF  }
0x3e: {  	[tilespmem:s25], [sflag:$0x1] =	stream.linear.gather [spmem:s8], $0x140, $0x38;
	[tilespmem:$0x9070] =	vst v63  }
0x3f: {  	_ =	swait.ge [sflag:s11], $0x140  }
0x40: {  	[sflag:s11] =	ssyncset.done $0x0  }
0x41: {  	[sflag:s11] =	ssyncadd.s32 $0xFFFFFEC0  }
0x42: {  	v19 =	vld [tilespmem:s25+$0x0];
	_ =	sdelay $0x4  }
0x43: {  	v19 =	vadd.f32 $1.000000000e+00, v19;
	_ =	sdelay $0x1  }
0x44: {  	v20 =	vshrl.u32 v19, $0x1;
	v19 =	vmul.f32 $5.000000000e-01, v19  }
0x45: {  	v20 =	vsub.s32 $0x5F3759DF, v20  }
0x46: {  	v21 =	vmul.f32 v20, v19;
	_ =	sdelay $0x1  }
0x47: {  	v21 =	vmul.f32 v20, v21;
	_ =	sdelay $0x1  }
0x48: {  	v21 =	vsub.f32 $1.500000000e+00, v21;
	_ =	sdelay $0x1  }
0x49: {  	v20 =	vmul.f32 v20, v21;
	_ =	sdelay $0x1  }
0x4a: {  	v21 =	vmul.f32 v20, v19;
	_ =	sdelay $0x1  }
0x4b: {  	v21 =	vmul.f32 v21, v20;
	_ =	sdelay $0x1  }
0x4c: {  	v21 =	vsub.f32 $1.500000000e+00, v21;
	_ =	sdelay $0x1  }
0x4d: {  	v20 =	vmul.f32 v21, v20;
	_ =	sdelay $0x1  }
0x4e: {  	s31 =	simm.s32 $0x0;
	v19 =	vmul.f32 v20, v19  }
0x4f: {  	v21 =	vmov s31  }
0x50: {  	v21 =	vshll.u32 v21, $0x7;
	v19 =	vmul.f32 v19, v20  }
0x51: {  	v21 =	vor.u32 v3, v21  }
0x52: {  	v22 =	vor.u32 v0, v21;
	v19 =	vsub.f32 $1.500000000e+00, v19  }
0x53: {  	v23 =	vor.u32 v4, v21  }
0x54: {  	v19 =	vmul.f32 v19, v20;
	v20 =	vor.u32 v5, v21  }
0x55: {  	v24 =	vor.u32 v6, v21  }
0x56: {  	v25 =	vor.u32 v7, v21;
	[tilespmem:$0x79E0] =	vst v19  }
0x57: {  	[tilespmem:v22+s23+$0x0] =	vst.idx.msk $0xffff, v19;
	v22 =	vor.u32 v8, v21  }
0x58: {  	[tilespmem:v23+s23+$0x0] =	vst.idx.msk $0xffff, v19;
	v23 =	vor.u32 v9, v21  }
0x59: {  	[tilespmem:v20+s23+$0x0] =	vst.idx.msk $0xffff, v19;
	v20 =	vor.u32 v10, v21  }
0x5a: {  	v60 =	vor.u32 v11, v21;
	[tilespmem:v24+s23+$0x0] =	vst.idx.msk $0xffff, v19  }
0x5b: {  	v61 =	vor.u32 v12, v21;
	[tilespmem:v25+s23+$0x0] =	vst.idx.msk $0xffff, v19  }
0x5c: {  	[tilespmem:v22+s23+$0x0] =	vst.idx.msk $0xffff, v19;
	v22 =	vor.u32 v13, v21  }
0x5d: {  	[tilespmem:v23+s23+$0x0] =	vst.idx.msk $0xffff, v19;
	v23 =	vor.u32 v14, v21  }
0x5e: {  	[tilespmem:v20+s23+$0x0] =	vst.idx.msk $0xffff, v19;
	v20 =	vor.u32 v15, v21  }
0x5f: {  	[tilespmem:v60+s23+$0x0] =	vst.idx.msk $0xffff, v19  }
0x60: {  	v62 =	vor.u32 v16, v21;
	[tilespmem:v61+s23+$0x0] =	vst.idx.msk $0xffff, v19  }
0x61: {  	v63 =	vor.u32 v17, v21;
	[tilespmem:v22+s23+$0x0] =	vst.idx.msk $0xffff, v19  }
0x62: {  	[tilespmem:v23+s23+$0x0] =	vst.idx.msk $0xffff, v19  }
0x63: {  	[tilespmem:v20+s23+$0x0] =	vst.idx.msk $0xffff, v19;
	v20 =	vor.u32 v18, v21;
	_ =	sdelay $0x1  }
0x64: {  	[tilespmem:v62+s23+$0x0] =	vst.idx.msk $0xffff, v19  }
0x65: {  	s26 =	simm.s32 $0x2;
	[tilespmem:v63+s23+$0x0] =	vst.idx.msk $0xffff, v19  }
.LBB2_6:
0x66: {  	p0 =	sne.s32 s26, $0x26  }
0x67: {  	[tilespmem:v20+s23+$0x0] =	vst.idx.msk $0xffff, v19;
	s25 =	sadd.s32 $0x10, s25;
	s28 =	smov.u32 s26;
	s26 =	sadd.s32 $0x2, s26  }
0x68: {  	v19 =	vld [tilespmem:s25+$0x0];
	_ =	sdelay $0x4  }
0x69: {  	v19 =	vadd.f32 $1.000000000e+00, v19;
	_ =	sdelay $0x1  }
0x6a: {  	v20 =	vshrl.u32 v19, $0x1;
	v19 =	vmul.f32 $5.000000000e-01, v19  }
0x6b: {  	v20 =	vsub.s32 $0x5F3759DF, v20  }
0x6c: {  	v21 =	vmul.f32 v20, v19;
	_ =	sdelay $0x1  }
0x6d: {  	v21 =	vmul.f32 v20, v21;
	_ =	sdelay $0x1  }
0x6e: {  	v21 =	vsub.f32 $1.500000000e+00, v21;
	_ =	sdelay $0x1  }
0x6f: {  	v20 =	vmul.f32 v20, v21;
	_ =	sdelay $0x1  }
0x70: {  	v21 =	vmul.f32 v20, v19;
	_ =	sdelay $0x1  }
0x71: {  	v21 =	vmul.f32 v21, v20;
	_ =	sdelay $0x1  }
0x72: {  	v21 =	vsub.f32 $1.500000000e+00, v21;
	_ =	sdelay $0x1  }
0x73: {  	v20 =	vmul.f32 v21, v20;
	_ =	sdelay $0x1  }
0x74: {  	v19 =	vmul.f32 v20, v19  }
0x75: {  	v21 =	vmov s28  }
0x76: {  	v21 =	vshll.u32 v21, $0x7;
	v19 =	vmul.f32 v19, v20  }
0x77: {  	v21 =	vor.u32 v3, v21  }
0x78: {  	v22 =	vor.u32 v0, v21;
	v19 =	vsub.f32 $1.500000000e+00, v19  }
0x79: {  	v23 =	vor.u32 v4, v21  }
0x7a: {  	v19 =	vmul.f32 v19, v20;
	v20 =	vor.u32 v5, v21  }
0x7b: {  	v24 =	vor.u32 v6, v21  }
0x7c: {  	v25 =	vor.u32 v7, v21;
	[tilespmem:$0x79E0] =	vst v19  }
0x7d: {  	[tilespmem:v22+s23+$0x0] =	vst.idx.msk $0xffff, v19;
	v22 =	vor.u32 v8, v21  }
0x7e: {  	[tilespmem:v23+s23+$0x0] =	vst.idx.msk $0xffff, v19;
	v23 =	vor.u32 v9, v21  }
0x7f: {  	[tilespmem:v20+s23+$0x0] =	vst.idx.msk $0xffff, v19;
	v20 =	vor.u32 v10, v21  }
0x80: {  	[tilespmem:v24+s23+$0x0] =	vst.idx.msk $0xffff, v19;
	v24 =	vor.u32 v11, v21  }
0x81: {  	[tilespmem:v25+s23+$0x0] =	vst.idx.msk $0xffff, v19;
	v25 =	vor.u32 v12, v21  }
0x82: {  	[tilespmem:v22+s23+$0x0] =	vst.idx.msk $0xffff, v19;
	v22 =	vor.u32 v13, v21  }
0x83: {  	[tilespmem:v23+s23+$0x0] =	vst.idx.msk $0xffff, v19;
	v23 =	vor.u32 v14, v21  }
0x84: {  	v26 =	vor.u32 v15, v21;
	[tilespmem:v20+s23+$0x0] =	vst.idx.msk $0xffff, v19  }
0x85: {  	[tilespmem:v24+s23+$0x0] =	vst.idx.msk $0xffff, v19;
	v24 =	vor.u32 v16, v21  }
0x86: {  	[tilespmem:v25+s23+$0x0] =	vst.idx.msk $0xffff, v19;
	v25 =	vor.u32 v17, v21  }
.Ltmp2:
0x87: {  	v20 =	vor.u32 v18, v21;
	[tilespmem:v22+s23+$0x0] =	vst.idx.msk $0xffff, v19;
	(pc) =	sbr.rel @p0 .LBB2_6-.Ltmp2, $4  }
0x88: {  	[tilespmem:v23+s23+$0x0] =	vst.idx.msk $0xffff, v19  }
0x89: {  	[tilespmem:v26+s23+$0x0] =	vst.idx.msk $0xffff, v19  }
0x8a: {  	[tilespmem:v24+s23+$0x0] =	vst.idx.msk $0xffff, v19  }
0x8b: {  	[tilespmem:v25+s23+$0x0] =	vst.idx.msk $0xffff, v19  }
0x8c: {  	_ =	sdelay $0x1  }
0x8d: {  	s24 =	sadd.s32 $0x1, s24  }
0x8e: {  	p0 =	sne.s32 s24, s10  }
.Ltmp3:
0x8f: {  	[tilespmem:v20+s23+$0x0] =	vst.idx.msk $0xffff, v19;
	(pc) =	sbr.rel @p0 .LBB2_1-.Ltmp3, $4  }
0x90: {  	[hbm4b:s9+s4] =	stream.linear.scatter [tilespmem:s23], [sflag:$0x1], $0x1400, $0x38;
	[tilespmem:$0x9070] =	vst v63  }
0x91: {  	_ =	swait.ge [sflag:s11], $0x1400  }
0x92: {  	[sflag:s11] =	ssyncset.done $0x0  }
0x93: {  	[sflag:s11] =	ssyncadd.s32 $0xFFFFEC00  }
0x94: {  	_ =	sfence.sel $0x180000  }
0x95: {  	[bflag:$0x0] =	sbarrier.arrive $0xFFFF  }
0x96: {  	p0 =	sne.s32 s0, $0x0;
	_ =	strace $0x90000047  }
0x97: {  	s0 =	sadd.s32 @!p0 $0x100000, s1;
	[bflag:$0x2] =	sbarrier.arrive $0xFFFF  }
0x98: {  	[sflag:s0] =	ssyncadd.tile.s32 @!p0 $0x1;
	_ =	shalt  }
.Lfunc_end2:
_tile_overlayer_lowered:
.L_overlay_start_2:
0x99: {  	(tag) =	ssettag $0x2  }
0x9a: {  	s0 =	rddreg [dreg:$0x0];
	s2 =	stileid.u32  }
0x9b: {  	s1 =	rddreg [dreg:$0x1];
	p0 =	sne.s32 s2, $0x0  }
0x9c: {  	s3 =	rddreg [dreg:$0x2];
	[bflag:$0x3] =	sbarrier.arrive $0xFFFF;
	s2 =	simm.s32 @!p0 $0x1C01  }
0x9d: {  	[timem:s3], [sflag:s2] =	dma.local @!p0 [hbm:s0], s1  }
0x9e: {  	s0 =	simm.s32 @!p0 $0x1  }
0x9f: {  	_ =	swait.ge @!p0 [sflag:s0], s1  }
0xa0: {  	s1 =	ssub.s32 @!p0 $0x0, s1;
	[sflag:s0] =	ssyncset.done @!p0 $0x0  }
0xa1: {  	[sflag:s0] =	ssyncadd.s32 @!p0 s1  }
0xa2: {  	[bflag:$0x3] =	sbarrier.arrive $0xFFFF  }
0xa3: {  	_ =	shalt  }

</sc_bundles>
